<compile_context>
chip_gen: v7x
topology: tpu7x:2x2x1
jax: 0.10.2.dev20260603
libtpu: 0.0.44.dev20260713+nightly
codegen_flags: <defaults>
</compile_context>

<pallas_src>
import functools

import jax
import jax.numpy as jnp
from jax import lax
from jax.experimental import pallas as pl
from jax.experimental.pallas import tpu as pltpu
from jax.experimental.pallas import tpu_sc as plsc

EMB_DIM = 128
_NC, _NS = 2, 16
_NW = _NC * _NS

_BLK = 2048
_NB = (5, 5, 10, 30)


def _table_body(e0, e1, e2, e3, w1, w2, w3, o):
    i = pl.program_id(0)

    @pl.when(i < 5)
    def _():
        o[...] = e0[...]

    @pl.when((i >= 5) & (i < 10))
    def _():
        o[...] = jnp.dot(e1[...], w1[...], preferred_element_type=jnp.float32)

    @pl.when((i >= 10) & (i < 20))
    def _():
        o[...] = jnp.dot(e2[...], w2[...], preferred_element_type=jnp.float32)

    @pl.when(i >= 20)
    def _():
        o[...] = jnp.dot(e3[...], w3[...], preferred_element_type=jnp.float32)


def _build_table(emb0, emb1, emb2, emb3, w1, w2, w3):
    nrows = _BLK * sum(_NB)
    return pl.pallas_call(
        _table_body,
        grid=(sum(_NB),),
        in_specs=[
            pl.BlockSpec((_BLK, 128), lambda i: (jnp.clip(i, 0, 4), 0)),
            pl.BlockSpec((_BLK, 64), lambda i: (jnp.clip(i - 5, 0, 4), 0)),
            pl.BlockSpec((_BLK, 32), lambda i: (jnp.clip(i - 10, 0, 9), 0)),
            pl.BlockSpec((_BLK, 16), lambda i: (jnp.clip(i - 20, 0, 29), 0)),
            pl.BlockSpec((64, EMB_DIM), lambda i: (0, 0)),
            pl.BlockSpec((32, EMB_DIM), lambda i: (0, 0)),
            pl.BlockSpec((16, EMB_DIM), lambda i: (0, 0)),
        ],
        out_specs=pl.BlockSpec((_BLK, EMB_DIM), lambda i: (i, 0)),
        out_shape=jax.ShapeDtypeStruct((nrows, EMB_DIM), jnp.float32),
    )(emb0, emb1, emb2, emb3, w1, w2, w3)


def _sc_lookup(x, table):
    nrow, ntok = x.shape
    rpw = nrow // _NW
    grp = 4
    ngr = rpw // grp
    mesh = plsc.VectorSubcoreMesh(core_axis_name="c", subcore_axis_name="s")

    @functools.partial(
        pl.kernel,
        out_type=jax.ShapeDtypeStruct((nrow, ntok, EMB_DIM), jnp.float32),
        mesh=mesh,
        scratch_types=[
            pltpu.VMEM((rpw, ntok), jnp.int32),
            pltpu.VMEM((rpw, ntok), jnp.int32),
            pltpu.VMEM((2 * grp, ntok, EMB_DIM), jnp.float32),
            pltpu.SemaphoreType.DMA,
            pltpu.SemaphoreType.DMA,
        ],
    )
    def k(x_hbm, table_hbm, out_hbm, xi_v, gi_v, stg_v, sem0, sem1):
        sems = (sem0, sem1)
        wid = lax.axis_index("s") * _NC + lax.axis_index("c")
        rbase = wid * rpw
        pltpu.sync_copy(x_hbm.at[pl.ds(rbase, rpw)], xi_v)

        def to_rows(r, carry):
            for c in (0, 16, 32, 34):
                v = xi_v[r, pl.ds(c, 16)]
                shift = (jnp.where(v > 10000, 240, 0)
                         + jnp.where(v > 20000, 240, 0)
                         + jnp.where(v > 40000, 480, 0))
                gi_v[r, pl.ds(c, 16)] = jnp.where(v == 0, 10000, v + shift)
            return carry

        lax.fori_loop(0, rpw, to_rows, 0)

        def fire_group(g, b):
            for i in range(grp):
                pltpu.async_copy(table_hbm.at[gi_v.at[grp * g + i]],
                                 stg_v.at[b * grp + i], sems[b])

        def wait_group(g, b):
            for i in range(grp):
                pltpu.make_async_copy(table_hbm.at[gi_v.at[grp * g + i]],
                                      stg_v.at[b * grp + i], sems[b]).wait()

        def store_group(g, b):
            pltpu.sync_copy(stg_v.at[pl.ds(b * grp, grp)],
                            out_hbm.at[pl.ds(rbase + grp * g, grp)])

        fire_group(0, 0)

        def body(s, carry):
            g0 = 2 * s
            g1 = g0 + 1
            fire_group(g1, 1)
            wait_group(g0, 0)
            store_group(g0, 0)
            fire_group(jnp.minimum(g0 + 2, ngr - 1), 0)
            wait_group(g1, 1)
            store_group(g1, 1)
            return carry

        lax.fori_loop(0, ngr // 2, body, 0)
        wait_group(ngr - 1, 0)

    return k(x, table)


def kernel(x, emb0, emb1, emb2, emb3, W1, W2, W3):
    table = _build_table(emb0, emb1, emb2, emb3, W1, W2, W3)
    return _sc_lookup(x.astype(jnp.int32), table)

# --- scband reference (transcript-rebuilt; emitter-appended) ---
"""Pipeline reference for scband-embedding-module-57406532878345 (READ-ONLY COPY).

The authoritative reference and input builder live on the scoring server;
editing this copy changes nothing except your own understanding.
"""

import jax, jax.numpy as jnp
import numpy as np

CUTOFFS = [10000, 20000, 40000, 100000]
EMB_DIM = 128
FACTOR = 2


def setup_inputs(seed: int = 0) -> dict:
    key = jax.random.key(seed)
    ks = jax.random.split(key, 9)
    x = jax.random.randint(ks[0], (4096, 50), 0, 100000)
    tables = []
    last = 0
    for i, c in enumerate(CUTOFFS):
        dim = EMB_DIM // FACTOR ** i
        t = jax.random.normal(ks[1 + i], (c - last + 1, dim), dtype=jnp.float32) * 0.02
        # padding_idx row (last row) initialized to zero like nn.Embedding
        t = t.at[-1].set(0.0)
        tables.append(t)
        last = c
    maps = []
    for i in range(1, len(CUTOFFS)):
        in_dim = EMB_DIM // FACTOR ** i
        W = jax.random.normal(ks[5 + i - 1], (in_dim, EMB_DIM), dtype=jnp.float32) * (1.0 / np.sqrt(in_dim))
        maps.append(W)
    return {
        "x": x,
        "emb0": tables[0],
        "emb1": tables[1],
        "emb2": tables[2],
        "emb3": tables[3],
        "W1": maps[0],
        "W2": maps[1],
        "W3": maps[2],
    }


def reference(x, emb0, emb1, emb2, emb3, W1, W2, W3):
    tables = [emb0, emb1, emb2, emb3]
    maps = [None, W1, W2, W3]
    last = 0
    out = jnp.zeros(x.shape + (EMB_DIM,), dtype=jnp.float32)
    for i, c in enumerate(CUTOFFS):
        valid = (x > last) & (x < c)
        pad = c - last
        # valid * (x - last) + ~valid * pad  ==  where(valid, x-last, pad)
        query = jnp.where(valid, x - last, pad)
        embs = jnp.take(tables[i], query, axis=0)
        if maps[i] is not None:
            embs = embs @ maps[i]
        out = out + embs
        last = c
    return out

if __name__ == "__main__":
    import jax
    _d = setup_inputs()
    print(jax.jit(kernel)(*tuple(_d.values())))

</pallas_src>

<mosaic_0001>
#map = affine_map<(d0, d1) -> (0, 0)>
#map1 = affine_map<(d0, d1) -> (0, 0, 0)>
module attributes {stable_mosaic.version = 14 : i64} {
  func.func @k(%arg0: i32, %arg1: i32, %arg2: memref<4096x50xi32, #tpu.memory_space<hbm>>, %arg3: memref<102400x128xf32, #tpu.memory_space<hbm>>, %arg4: memref<4096x50x128xf32, #tpu.memory_space<hbm>>, %arg5: memref<128x50xi32, #tpu.memory_space<vmem>>, %arg6: memref<128x50xi32, #tpu.memory_space<vmem>>, %arg7: memref<8x50x128xf32, #tpu.memory_space<vmem>>, %arg8: memref<!tpu.dma_semaphore, #tpu.memory_space<semaphore_mem>>, %arg9: memref<!tpu.dma_semaphore, #tpu.memory_space<semaphore_mem>>) attributes {dimension_semantics = [#tpu.dimension_semantics<core_parallel>, #tpu.dimension_semantics<subcore_parallel>], iteration_bounds = array<i64: 2, 16>, scalar_prefetch = 0 : i64, scratch_operands = 5 : i64, tpu.core_type = #tpu.core_type<sc_vector_subcore>, window_params = [{transform_indices = #map}, {transform_indices = #map}, {transform_indices = #map1}]} {
    %mul3A = arith.constant 2 : i32
    %mul3A_0 = arith.muli %arg1, %mul3A : i32
    %add3A = arith.addi %mul3A_0, %arg0 : i32
    %mul3A_1 = arith.constant 128 : i32
    %mul3A_2 = arith.muli %add3A, %mul3A_1 : i32
    "tpu.region"() ({
      %run_scoped3A = tpu.sem_alloc : memref<!tpu.dma_semaphore, #tpu.memory_space<semaphore_mem>>
      %dma_start3A_108 = arith.constant 0 : i32
      %dma_start3A_109 = tpu.memref_slice %arg2[%mul3A_2, %dma_start3A_108] : memref<4096x50xi32, #tpu.memory_space<hbm>> -> memref<128x50xi32, #tpu.memory_space<hbm>>
      %dma_start3A_110 = arith.constant 0 : i32
      %dma_start3A_111 = tpu.memref_slice %arg2[%mul3A_2, %dma_start3A_110] : memref<4096x50xi32, #tpu.memory_space<hbm>> -> memref<128x50xi32, #tpu.memory_space<hbm>>
      tpu.enqueue_dma source(%dma_start3A_111 : memref<128x50xi32, #tpu.memory_space<hbm>>) target(%arg5 : memref<128x50xi32, #tpu.memory_space<vmem>>) target_semaphore(%run_scoped3A : memref<!tpu.dma_semaphore, #tpu.memory_space<semaphore_mem>>)
      %dma_wait3A_112 = arith.constant 0 : i32
      %dma_wait3A_113 = tpu.memref_slice %arg2[%mul3A_2, %dma_wait3A_112] : memref<4096x50xi32, #tpu.memory_space<hbm>> -> memref<128x50xi32, #tpu.memory_space<hbm>>
      %dma_wait3A_114 = arith.constant 0 : i32
      %dma_wait3A_115 = tpu.memref_slice %arg2[%mul3A_2, %dma_wait3A_114] : memref<4096x50xi32, #tpu.memory_space<hbm>> -> memref<128x50xi32, #tpu.memory_space<hbm>>
      tpu.wait_dma2 semaphore(%run_scoped3A : memref<!tpu.dma_semaphore, #tpu.memory_space<semaphore_mem>>) src(%dma_wait3A_115 : memref<128x50xi32, #tpu.memory_space<hbm>>) dst(%arg5 : memref<128x50xi32, #tpu.memory_space<vmem>>)
      tpu.yield
    }) : () -> ()
    %scan3A = arith.constant 0 : i32
    %scan3A_3 = arith.constant 0 : i32
    %scan3A_4 = arith.constant 128 : i32
    %scan3A_5 = arith.addi %scan3A_3, %scan3A_4 : i32
    %scan3A_6 = arith.constant 1 : i32
    scf.for %scan3A_108 = %scan3A_3 to %scan3A_5 step %scan3A_6  : i32 {
      %get3A = arith.index_cast %scan3A_108 : i32 to index
      %get3A_109 = arith.constant 0 : index
      %get3A_110 = tpu.vector_load %arg5[%get3A, %get3A_109] {strides = array<i32>} : memref<128x50xi32, #tpu.memory_space<vmem>>, vector<1x16xi32>,
      %get3A_111 = vector.shape_cast %get3A_110 : vector<1x16xi32> to vector<16xi32>
      %gt3A = arith.constant 10000 : i32
      %gt3A_112 = vector.broadcast %gt3A : i32 to vector<16xi32>
      %gt3A_113 = arith.cmpi sgt, %get3A_111, %gt3A_112 : vector<16xi32>
      %jit3A = arith.constant 240 : i32
      %jit3A_114 = arith.constant 0 : i32
      %broadcast_in_dim3A = vector.broadcast %jit3A : i32 to vector<16xi32>
      %broadcast_in_dim3A_115 = vector.broadcast %jit3A_114 : i32 to vector<16xi32>
      %select_n3A = arith.select %gt3A_113, %broadcast_in_dim3A, %broadcast_in_dim3A_115 : vector<16xi1>, vector<16xi32>
      %gt3A_116 = arith.constant 20000 : i32
      %gt3A_117 = vector.broadcast %gt3A_116 : i32 to vector<16xi32>
      %gt3A_118 = arith.cmpi sgt, %get3A_111, %gt3A_117 : vector<16xi32>
      %jit3A_119 = arith.constant 240 : i32
      %jit3A_120 = arith.constant 0 : i32
      %broadcast_in_dim3A_121 = vector.broadcast %jit3A_119 : i32 to vector<16xi32>
      %broadcast_in_dim3A_122 = vector.broadcast %jit3A_120 : i32 to vector<16xi32>
      %select_n3A_123 = arith.select %gt3A_118, %broadcast_in_dim3A_121, %broadcast_in_dim3A_122 : vector<16xi1>, vector<16xi32>
      %add3A_124 = arith.addi %select_n3A, %select_n3A_123 : vector<16xi32>
      %gt3A_125 = arith.constant 40000 : i32
      %gt3A_126 = vector.broadcast %gt3A_125 : i32 to vector<16xi32>
      %gt3A_127 = arith.cmpi sgt, %get3A_111, %gt3A_126 : vector<16xi32>
      %jit3A_128 = arith.constant 480 : i32
      %jit3A_129 = arith.constant 0 : i32
      %broadcast_in_dim3A_130 = vector.broadcast %jit3A_128 : i32 to vector<16xi32>
      %broadcast_in_dim3A_131 = vector.broadcast %jit3A_129 : i32 to vector<16xi32>
      %select_n3A_132 = arith.select %gt3A_127, %broadcast_in_dim3A_130, %broadcast_in_dim3A_131 : vector<16xi1>, vector<16xi32>
      %add3A_133 = arith.addi %add3A_124, %select_n3A_132 : vector<16xi32>
      %eq3A = arith.constant 0 : i32
      %eq3A_134 = vector.broadcast %eq3A : i32 to vector<16xi32>
      %eq3A_135 = arith.cmpi eq, %get3A_111, %eq3A_134 : vector<16xi32>
      %add3A_136 = arith.addi %get3A_111, %add3A_133 : vector<16xi32>
      %jit3A_137 = arith.constant 10000 : i32
      %broadcast_in_dim3A_138 = vector.broadcast %jit3A_137 : i32 to vector<16xi32>
      %select_n3A_139 = arith.select %eq3A_135, %broadcast_in_dim3A_138, %add3A_136 : vector<16xi1>, vector<16xi32>
      %swap3A = arith.index_cast %scan3A_108 : i32 to index
      %swap3A_140 = arith.constant 0 : index
      %swap3A_141 = tpu.vector_load %arg6[%swap3A, %swap3A_140] {strides = array<i32>} : memref<128x50xi32, #tpu.memory_space<vmem>>, vector<1x16xi32>,
      %swap3A_142 = vector.shape_cast %swap3A_141 : vector<1x16xi32> to vector<16xi32>
      %swap3A_143 = vector.shape_cast %select_n3A_139 : vector<16xi32> to vector<1x16xi32>
      tpu.vector_store %arg6[%swap3A, %swap3A_140], %swap3A_143 {strides = array<i32>} : memref<128x50xi32, #tpu.memory_space<vmem>>, vector<1x16xi32>,
      %get3A_144 = arith.index_cast %scan3A_108 : i32 to index
      %get3A_145 = arith.constant 16 : index
      %get3A_146 = tpu.vector_load %arg5[%get3A_144, %get3A_145] {strides = array<i32>} : memref<128x50xi32, #tpu.memory_space<vmem>>, vector<1x16xi32>,
      %get3A_147 = vector.shape_cast %get3A_146 : vector<1x16xi32> to vector<16xi32>
      %gt3A_148 = arith.constant 10000 : i32
      %gt3A_149 = vector.broadcast %gt3A_148 : i32 to vector<16xi32>
      %gt3A_150 = arith.cmpi sgt, %get3A_147, %gt3A_149 : vector<16xi32>
      %jit3A_151 = arith.constant 240 : i32
      %jit3A_152 = arith.constant 0 : i32
      %broadcast_in_dim3A_153 = vector.broadcast %jit3A_151 : i32 to vector<16xi32>
      %broadcast_in_dim3A_154 = vector.broadcast %jit3A_152 : i32 to vector<16xi32>
      %select_n3A_155 = arith.select %gt3A_150, %broadcast_in_dim3A_153, %broadcast_in_dim3A_154 : vector<16xi1>, vector<16xi32>
      %gt3A_156 = arith.constant 20000 : i32
      %gt3A_157 = vector.broadcast %gt3A_156 : i32 to vector<16xi32>
      %gt3A_158 = arith.cmpi sgt, %get3A_147, %gt3A_157 : vector<16xi32>
      %jit3A_159 = arith.constant 240 : i32
      %jit3A_160 = arith.constant 0 : i32
      %broadcast_in_dim3A_161 = vector.broadcast %jit3A_159 : i32 to vector<16xi32>
      %broadcast_in_dim3A_162 = vector.broadcast %jit3A_160 : i32 to vector<16xi32>
      %select_n3A_163 = arith.select %gt3A_158, %broadcast_in_dim3A_161, %broadcast_in_dim3A_162 : vector<16xi1>, vector<16xi32>
      %add3A_164 = arith.addi %select_n3A_155, %select_n3A_163 : vector<16xi32>
      %gt3A_165 = arith.constant 40000 : i32
      %gt3A_166 = vector.broadcast %gt3A_165 : i32 to vector<16xi32>
      %gt3A_167 = arith.cmpi sgt, %get3A_147, %gt3A_166 : vector<16xi32>
      %jit3A_168 = arith.constant 480 : i32
      %jit3A_169 = arith.constant 0 : i32
      %broadcast_in_dim3A_170 = vector.broadcast %jit3A_168 : i32 to vector<16xi32>
      %broadcast_in_dim3A_171 = vector.broadcast %jit3A_169 : i32 to vector<16xi32>
      %select_n3A_172 = arith.select %gt3A_167, %broadcast_in_dim3A_170, %broadcast_in_dim3A_171 : vector<16xi1>, vector<16xi32>
      %add3A_173 = arith.addi %add3A_164, %select_n3A_172 : vector<16xi32>
      %eq3A_174 = arith.constant 0 : i32
      %eq3A_175 = vector.broadcast %eq3A_174 : i32 to vector<16xi32>
      %eq3A_176 = arith.cmpi eq, %get3A_147, %eq3A_175 : vector<16xi32>
      %add3A_177 = arith.addi %get3A_147, %add3A_173 : vector<16xi32>
      %jit3A_178 = arith.constant 10000 : i32
      %broadcast_in_dim3A_179 = vector.broadcast %jit3A_178 : i32 to vector<16xi32>
      %select_n3A_180 = arith.select %eq3A_176, %broadcast_in_dim3A_179, %add3A_177 : vector<16xi1>, vector<16xi32>
      %swap3A_181 = arith.index_cast %scan3A_108 : i32 to index
      %swap3A_182 = arith.constant 16 : index
      %swap3A_183 = tpu.vector_load %arg6[%swap3A_181, %swap3A_182] {strides = array<i32>} : memref<128x50xi32, #tpu.memory_space<vmem>>, vector<1x16xi32>,
      %swap3A_184 = vector.shape_cast %swap3A_183 : vector<1x16xi32> to vector<16xi32>
      %swap3A_185 = vector.shape_cast %select_n3A_180 : vector<16xi32> to vector<1x16xi32>
      tpu.vector_store %arg6[%swap3A_181, %swap3A_182], %swap3A_185 {strides = array<i32>} : memref<128x50xi32, #tpu.memory_space<vmem>>, vector<1x16xi32>,
      %get3A_186 = arith.index_cast %scan3A_108 : i32 to index
      %get3A_187 = arith.constant 32 : index
      %get3A_188 = tpu.vector_load %arg5[%get3A_186, %get3A_187] {strides = array<i32>} : memref<128x50xi32, #tpu.memory_space<vmem>>, vector<1x16xi32>,
      %get3A_189 = vector.shape_cast %get3A_188 : vector<1x16xi32> to vector<16xi32>
      %gt3A_190 = arith.constant 10000 : i32
      %gt3A_191 = vector.broadcast %gt3A_190 : i32 to vector<16xi32>
      %gt3A_192 = arith.cmpi sgt, %get3A_189, %gt3A_191 : vector<16xi32>
      %jit3A_193 = arith.constant 240 : i32
      %jit3A_194 = arith.constant 0 : i32
      %broadcast_in_dim3A_195 = vector.broadcast %jit3A_193 : i32 to vector<16xi32>
      %broadcast_in_dim3A_196 = vector.broadcast %jit3A_194 : i32 to vector<16xi32>
      %select_n3A_197 = arith.select %gt3A_192, %broadcast_in_dim3A_195, %broadcast_in_dim3A_196 : vector<16xi1>, vector<16xi32>
      %gt3A_198 = arith.constant 20000 : i32
      %gt3A_199 = vector.broadcast %gt3A_198 : i32 to vector<16xi32>
      %gt3A_200 = arith.cmpi sgt, %get3A_189, %gt3A_199 : vector<16xi32>
      %jit3A_201 = arith.constant 240 : i32
      %jit3A_202 = arith.constant 0 : i32
      %broadcast_in_dim3A_203 = vector.broadcast %jit3A_201 : i32 to vector<16xi32>
      %broadcast_in_dim3A_204 = vector.broadcast %jit3A_202 : i32 to vector<16xi32>
      %select_n3A_205 = arith.select %gt3A_200, %broadcast_in_dim3A_203, %broadcast_in_dim3A_204 : vector<16xi1>, vector<16xi32>
      %add3A_206 = arith.addi %select_n3A_197, %select_n3A_205 : vector<16xi32>
      %gt3A_207 = arith.constant 40000 : i32
      %gt3A_208 = vector.broadcast %gt3A_207 : i32 to vector<16xi32>
      %gt3A_209 = arith.cmpi sgt, %get3A_189, %gt3A_208 : vector<16xi32>
      %jit3A_210 = arith.constant 480 : i32
      %jit3A_211 = arith.constant 0 : i32
      %broadcast_in_dim3A_212 = vector.broadcast %jit3A_210 : i32 to vector<16xi32>
      %broadcast_in_dim3A_213 = vector.broadcast %jit3A_211 : i32 to vector<16xi32>
      %select_n3A_214 = arith.select %gt3A_209, %broadcast_in_dim3A_212, %broadcast_in_dim3A_213 : vector<16xi1>, vector<16xi32>
      %add3A_215 = arith.addi %add3A_206, %select_n3A_214 : vector<16xi32>
      %eq3A_216 = arith.constant 0 : i32
      %eq3A_217 = vector.broadcast %eq3A_216 : i32 to vector<16xi32>
      %eq3A_218 = arith.cmpi eq, %get3A_189, %eq3A_217 : vector<16xi32>
      %add3A_219 = arith.addi %get3A_189, %add3A_215 : vector<16xi32>
      %jit3A_220 = arith.constant 10000 : i32
      %broadcast_in_dim3A_221 = vector.broadcast %jit3A_220 : i32 to vector<16xi32>
      %select_n3A_222 = arith.select %eq3A_218, %broadcast_in_dim3A_221, %add3A_219 : vector<16xi1>, vector<16xi32>
      %swap3A_223 = arith.index_cast %scan3A_108 : i32 to index
      %swap3A_224 = arith.constant 32 : index
      %swap3A_225 = tpu.vector_load %arg6[%swap3A_223, %swap3A_224] {strides = array<i32>} : memref<128x50xi32, #tpu.memory_space<vmem>>, vector<1x16xi32>,
      %swap3A_226 = vector.shape_cast %swap3A_225 : vector<1x16xi32> to vector<16xi32>
      %swap3A_227 = vector.shape_cast %select_n3A_222 : vector<16xi32> to vector<1x16xi32>
      tpu.vector_store %arg6[%swap3A_223, %swap3A_224], %swap3A_227 {strides = array<i32>} : memref<128x50xi32, #tpu.memory_space<vmem>>, vector<1x16xi32>,
      %get3A_228 = arith.index_cast %scan3A_108 : i32 to index
      %get3A_229 = arith.constant 34 : index
      %get3A_230 = tpu.vector_load %arg5[%get3A_228, %get3A_229] {strides = array<i32>} : memref<128x50xi32, #tpu.memory_space<vmem>>, vector<1x16xi32>,
      %get3A_231 = vector.shape_cast %get3A_230 : vector<1x16xi32> to vector<16xi32>
      %gt3A_232 = arith.constant 10000 : i32
      %gt3A_233 = vector.broadcast %gt3A_232 : i32 to vector<16xi32>
      %gt3A_234 = arith.cmpi sgt, %get3A_231, %gt3A_233 : vector<16xi32>
      %jit3A_235 = arith.constant 240 : i32
      %jit3A_236 = arith.constant 0 : i32
      %broadcast_in_dim3A_237 = vector.broadcast %jit3A_235 : i32 to vector<16xi32>
      %broadcast_in_dim3A_238 = vector.broadcast %jit3A_236 : i32 to vector<16xi32>
      %select_n3A_239 = arith.select %gt3A_234, %broadcast_in_dim3A_237, %broadcast_in_dim3A_238 : vector<16xi1>, vector<16xi32>
      %gt3A_240 = arith.constant 20000 : i32
      %gt3A_241 = vector.broadcast %gt3A_240 : i32 to vector<16xi32>
      %gt3A_242 = arith.cmpi sgt, %get3A_231, %gt3A_241 : vector<16xi32>
      %jit3A_243 = arith.constant 240 : i32
      %jit3A_244 = arith.constant 0 : i32
      %broadcast_in_dim3A_245 = vector.broadcast %jit3A_243 : i32 to vector<16xi32>
      %broadcast_in_dim3A_246 = vector.broadcast %jit3A_244 : i32 to vector<16xi32>
      %select_n3A_247 = arith.select %gt3A_242, %broadcast_in_dim3A_245, %broadcast_in_dim3A_246 : vector<16xi1>, vector<16xi32>
      %add3A_248 = arith.addi %select_n3A_239, %select_n3A_247 : vector<16xi32>
      %gt3A_249 = arith.constant 40000 : i32
      %gt3A_250 = vector.broadcast %gt3A_249 : i32 to vector<16xi32>
      %gt3A_251 = arith.cmpi sgt, %get3A_231, %gt3A_250 : vector<16xi32>
      %jit3A_252 = arith.constant 480 : i32
      %jit3A_253 = arith.constant 0 : i32
      %broadcast_in_dim3A_254 = vector.broadcast %jit3A_252 : i32 to vector<16xi32>
      %broadcast_in_dim3A_255 = vector.broadcast %jit3A_253 : i32 to vector<16xi32>
      %select_n3A_256 = arith.select %gt3A_251, %broadcast_in_dim3A_254, %broadcast_in_dim3A_255 : vector<16xi1>, vector<16xi32>
      %add3A_257 = arith.addi %add3A_248, %select_n3A_256 : vector<16xi32>
      %eq3A_258 = arith.constant 0 : i32
      %eq3A_259 = vector.broadcast %eq3A_258 : i32 to vector<16xi32>
      %eq3A_260 = arith.cmpi eq, %get3A_231, %eq3A_259 : vector<16xi32>
      %add3A_261 = arith.addi %get3A_231, %add3A_257 : vector<16xi32>
      %jit3A_262 = arith.constant 10000 : i32
      %broadcast_in_dim3A_263 = vector.broadcast %jit3A_262 : i32 to vector<16xi32>
      %select_n3A_264 = arith.select %eq3A_260, %broadcast_in_dim3A_263, %add3A_261 : vector<16xi1>, vector<16xi32>
      %swap3A_265 = arith.index_cast %scan3A_108 : i32 to index
      %swap3A_266 = arith.constant 34 : index
      %swap3A_267 = tpu.vector_load %arg6[%swap3A_265, %swap3A_266] {strides = array<i32>} : memref<128x50xi32, #tpu.memory_space<vmem>>, vector<1x16xi32>,
      %swap3A_268 = vector.shape_cast %swap3A_267 : vector<1x16xi32> to vector<16xi32>
      %swap3A_269 = vector.shape_cast %select_n3A_264 : vector<16xi32> to vector<1x16xi32>
      tpu.vector_store %arg6[%swap3A_265, %swap3A_266], %swap3A_269 {strides = array<i32>} : memref<128x50xi32, #tpu.memory_space<vmem>>, vector<1x16xi32>,
    }
    %scan3A_7 = arith.constant 128 : i32
    %dma_start3A = arith.constant 0 : i32
    %dma_start3A_8 = arith.constant 0 : i32
    %dma_start3A_9 = arith.constant 0 : i32
    %dma_start3A_10 = arith.constant 0 : i32
    %dma_start3A_11 = tpu.memref_slice %arg7[%dma_start3A_8, %dma_start3A_9, %dma_start3A_10] : memref<8x50x128xf32, #tpu.memory_space<vmem>> -> memref<1x50x128xf32, #tpu.memory_space<vmem>>
    %dma_start3A_12 = tpu.memref_squeeze %dma_start3A_11 : memref<1x50x128xf32, #tpu.memory_space<vmem>> -> memref<50x128xf32, #tpu.memory_space<vmem>>
    %dma_start3A_13 = arith.constant 0 : i32
    %dma_start3A_14 = tpu.memref_slice %arg6[%dma_start3A, %dma_start3A_13] : memref<128x50xi32, #tpu.memory_space<vmem>> -> memref<1x50xi32, #tpu.memory_space<vmem>>
    %dma_start3A_15 = tpu.memref_squeeze %dma_start3A_14 : memref<1x50xi32, #tpu.memory_space<vmem>> -> memref<50xi32, #tpu.memory_space<vmem>>
    %dma_start3A_16 = arith.constant 0 : i32
    %dma_start3A_17 = arith.constant 0 : i32
    %dma_start3A_18 = tpu.memref_slice %arg3[%dma_start3A_16, %dma_start3A_17] : memref<102400x128xf32, #tpu.memory_space<hbm>> -> memref<102400x128xf32, #tpu.memory_space<hbm>>
    tpu.enqueue_indirect_dma source(%dma_start3A_18 : memref<102400x128xf32, #tpu.memory_space<hbm>>) target(%dma_start3A_12 : memref<50x128xf32, #tpu.memory_space<vmem>>) offsets(%dma_start3A_15 : memref<50xi32, #tpu.memory_space<vmem>>) semaphore(%arg8 : memref<!tpu.dma_semaphore, #tpu.memory_space<semaphore_mem>>)
    %dma_start3A_19 = arith.constant 1 : i32
    %dma_start3A_20 = arith.constant 1 : i32
    %dma_start3A_21 = arith.constant 0 : i32
    %dma_start3A_22 = arith.constant 0 : i32
    %dma_start3A_23 = tpu.memref_slice %arg7[%dma_start3A_20, %dma_start3A_21, %dma_start3A_22] : memref<8x50x128xf32, #tpu.memory_space<vmem>> -> memref<1x50x128xf32, #tpu.memory_space<vmem>>
    %dma_start3A_24 = tpu.memref_squeeze %dma_start3A_23 : memref<1x50x128xf32, #tpu.memory_space<vmem>> -> memref<50x128xf32, #tpu.memory_space<vmem>>
    %dma_start3A_25 = arith.constant 0 : i32
    %dma_start3A_26 = tpu.memref_slice %arg6[%dma_start3A_19, %dma_start3A_25] : memref<128x50xi32, #tpu.memory_space<vmem>> -> memref<1x50xi32, #tpu.memory_space<vmem>>
    %dma_start3A_27 = tpu.memref_squeeze %dma_start3A_26 : memref<1x50xi32, #tpu.memory_space<vmem>> -> memref<50xi32, #tpu.memory_space<vmem>>
    %dma_start3A_28 = arith.constant 0 : i32
    %dma_start3A_29 = arith.constant 0 : i32
    %dma_start3A_30 = tpu.memref_slice %arg3[%dma_start3A_28, %dma_start3A_29] : memref<102400x128xf32, #tpu.memory_space<hbm>> -> memref<102400x128xf32, #tpu.memory_space<hbm>>
    tpu.enqueue_indirect_dma source(%dma_start3A_30 : memref<102400x128xf32, #tpu.memory_space<hbm>>) target(%dma_start3A_24 : memref<50x128xf32, #tpu.memory_space<vmem>>) offsets(%dma_start3A_27 : memref<50xi32, #tpu.memory_space<vmem>>) semaphore(%arg8 : memref<!tpu.dma_semaphore, #tpu.memory_space<semaphore_mem>>)
    %dma_start3A_31 = arith.constant 2 : i32
    %dma_start3A_32 = arith.constant 2 : i32
    %dma_start3A_33 = arith.constant 0 : i32
    %dma_start3A_34 = arith.constant 0 : i32
    %dma_start3A_35 = tpu.memref_slice %arg7[%dma_start3A_32, %dma_start3A_33, %dma_start3A_34] : memref<8x50x128xf32, #tpu.memory_space<vmem>> -> memref<1x50x128xf32, #tpu.memory_space<vmem>>
    %dma_start3A_36 = tpu.memref_squeeze %dma_start3A_35 : memref<1x50x128xf32, #tpu.memory_space<vmem>> -> memref<50x128xf32, #tpu.memory_space<vmem>>
    %dma_start3A_37 = arith.constant 0 : i32
    %dma_start3A_38 = tpu.memref_slice %arg6[%dma_start3A_31, %dma_start3A_37] : memref<128x50xi32, #tpu.memory_space<vmem>> -> memref<1x50xi32, #tpu.memory_space<vmem>>
    %dma_start3A_39 = tpu.memref_squeeze %dma_start3A_38 : memref<1x50xi32, #tpu.memory_space<vmem>> -> memref<50xi32, #tpu.memory_space<vmem>>
    %dma_start3A_40 = arith.constant 0 : i32
    %dma_start3A_41 = arith.constant 0 : i32
    %dma_start3A_42 = tpu.memref_slice %arg3[%dma_start3A_40, %dma_start3A_41] : memref<102400x128xf32, #tpu.memory_space<hbm>> -> memref<102400x128xf32, #tpu.memory_space<hbm>>
    tpu.enqueue_indirect_dma source(%dma_start3A_42 : memref<102400x128xf32, #tpu.memory_space<hbm>>) target(%dma_start3A_36 : memref<50x128xf32, #tpu.memory_space<vmem>>) offsets(%dma_start3A_39 : memref<50xi32, #tpu.memory_space<vmem>>) semaphore(%arg8 : memref<!tpu.dma_semaphore, #tpu.memory_space<semaphore_mem>>)
    %dma_start3A_43 = arith.constant 3 : i32
    %dma_start3A_44 = arith.constant 3 : i32
    %dma_start3A_45 = arith.constant 0 : i32
    %dma_start3A_46 = arith.constant 0 : i32
    %dma_start3A_47 = tpu.memref_slice %arg7[%dma_start3A_44, %dma_start3A_45, %dma_start3A_46] : memref<8x50x128xf32, #tpu.memory_space<vmem>> -> memref<1x50x128xf32, #tpu.memory_space<vmem>>
    %dma_start3A_48 = tpu.memref_squeeze %dma_start3A_47 : memref<1x50x128xf32, #tpu.memory_space<vmem>> -> memref<50x128xf32, #tpu.memory_space<vmem>>
    %dma_start3A_49 = arith.constant 0 : i32
    %dma_start3A_50 = tpu.memref_slice %arg6[%dma_start3A_43, %dma_start3A_49] : memref<128x50xi32, #tpu.memory_space<vmem>> -> memref<1x50xi32, #tpu.memory_space<vmem>>
    %dma_start3A_51 = tpu.memref_squeeze %dma_start3A_50 : memref<1x50xi32, #tpu.memory_space<vmem>> -> memref<50xi32, #tpu.memory_space<vmem>>
    %dma_start3A_52 = arith.constant 0 : i32
    %dma_start3A_53 = arith.constant 0 : i32
    %dma_start3A_54 = tpu.memref_slice %arg3[%dma_start3A_52, %dma_start3A_53] : memref<102400x128xf32, #tpu.memory_space<hbm>> -> memref<102400x128xf32, #tpu.memory_space<hbm>>
    tpu.enqueue_indirect_dma source(%dma_start3A_54 : memref<102400x128xf32, #tpu.memory_space<hbm>>) target(%dma_start3A_48 : memref<50x128xf32, #tpu.memory_space<vmem>>) offsets(%dma_start3A_51 : memref<50xi32, #tpu.memory_space<vmem>>) semaphore(%arg8 : memref<!tpu.dma_semaphore, #tpu.memory_space<semaphore_mem>>)
    %scan3A_55 = arith.constant 0 : i32
    %scan3A_56 = arith.constant 0 : i32
    %scan3A_57 = arith.constant 16 : i32
    %scan3A_58 = arith.addi %scan3A_56, %scan3A_57 : i32
    %scan3A_59 = arith.constant 1 : i32
    scf.for %scan3A_108 = %scan3A_56 to %scan3A_58 step %scan3A_59  : i32 {
      %mul3A_109 = arith.constant 2 : i32
      %mul3A_110 = arith.muli %mul3A_109, %scan3A_108 : i32
      %add3A_111 = arith.constant 1 : i32
      %add3A_112 = arith.addi %mul3A_110, %add3A_111 : i32
      %mul3A_113 = arith.constant 4 : i32
      %mul3A_114 = arith.muli %mul3A_113, %add3A_112 : i32
      %add3A_115 = arith.constant 0 : i32
      %add3A_116 = arith.addi %mul3A_114, %add3A_115 : i32
      %dma_start3A_117 = arith.constant 4 : i32
      %dma_start3A_118 = arith.constant 0 : i32
      %dma_start3A_119 = arith.constant 0 : i32
      %dma_start3A_120 = tpu.memref_slice %arg7[%dma_start3A_117, %dma_start3A_118, %dma_start3A_119] : memref<8x50x128xf32, #tpu.memory_space<vmem>> -> memref<1x50x128xf32, #tpu.memory_space<vmem>>
      %dma_start3A_121 = tpu.memref_squeeze %dma_start3A_120 : memref<1x50x128xf32, #tpu.memory_space<vmem>> -> memref<50x128xf32, #tpu.memory_space<vmem>>
      %dma_start3A_122 = arith.constant 0 : i32
      %dma_start3A_123 = tpu.memref_slice %arg6[%add3A_116, %dma_start3A_122] : memref<128x50xi32, #tpu.memory_space<vmem>> -> memref<1x50xi32, #tpu.memory_space<vmem>>
      %dma_start3A_124 = tpu.memref_squeeze %dma_start3A_123 : memref<1x50xi32, #tpu.memory_space<vmem>> -> memref<50xi32, #tpu.memory_space<vmem>>
      %dma_start3A_125 = arith.constant 0 : i32
      %dma_start3A_126 = arith.constant 0 : i32
      %dma_start3A_127 = tpu.memref_slice %arg3[%dma_start3A_125, %dma_start3A_126] : memref<102400x128xf32, #tpu.memory_space<hbm>> -> memref<102400x128xf32, #tpu.memory_space<hbm>>
      tpu.enqueue_indirect_dma source(%dma_start3A_127 : memref<102400x128xf32, #tpu.memory_space<hbm>>) target(%dma_start3A_121 : memref<50x128xf32, #tpu.memory_space<vmem>>) offsets(%dma_start3A_124 : memref<50xi32, #tpu.memory_space<vmem>>) semaphore(%arg9 : memref<!tpu.dma_semaphore, #tpu.memory_space<semaphore_mem>>)
      %mul3A_128 = arith.constant 4 : i32
      %mul3A_129 = arith.muli %mul3A_128, %add3A_112 : i32
      %add3A_130 = arith.constant 1 : i32
      %add3A_131 = arith.addi %mul3A_129, %add3A_130 : i32
      %dma_start3A_132 = arith.constant 5 : i32
      %dma_start3A_133 = arith.constant 0 : i32
      %dma_start3A_134 = arith.constant 0 : i32
      %dma_start3A_135 = tpu.memref_slice %arg7[%dma_start3A_132, %dma_start3A_133, %dma_start3A_134] : memref<8x50x128xf32, #tpu.memory_space<vmem>> -> memref<1x50x128xf32, #tpu.memory_space<vmem>>
      %dma_start3A_136 = tpu.memref_squeeze %dma_start3A_135 : memref<1x50x128xf32, #tpu.memory_space<vmem>> -> memref<50x128xf32, #tpu.memory_space<vmem>>
      %dma_start3A_137 = arith.constant 0 : i32
      %dma_start3A_138 = tpu.memref_slice %arg6[%add3A_131, %dma_start3A_137] : memref<128x50xi32, #tpu.memory_space<vmem>> -> memref<1x50xi32, #tpu.memory_space<vmem>>
      %dma_start3A_139 = tpu.memref_squeeze %dma_start3A_138 : memref<1x50xi32, #tpu.memory_space<vmem>> -> memref<50xi32, #tpu.memory_space<vmem>>
      %dma_start3A_140 = arith.constant 0 : i32
      %dma_start3A_141 = arith.constant 0 : i32
      %dma_start3A_142 = tpu.memref_slice %arg3[%dma_start3A_140, %dma_start3A_141] : memref<102400x128xf32, #tpu.memory_space<hbm>> -> memref<102400x128xf32, #tpu.memory_space<hbm>>
      tpu.enqueue_indirect_dma source(%dma_start3A_142 : memref<102400x128xf32, #tpu.memory_space<hbm>>) target(%dma_start3A_136 : memref<50x128xf32, #tpu.memory_space<vmem>>) offsets(%dma_start3A_139 : memref<50xi32, #tpu.memory_space<vmem>>) semaphore(%arg9 : memref<!tpu.dma_semaphore, #tpu.memory_space<semaphore_mem>>)
      %mul3A_143 = arith.constant 4 : i32
      %mul3A_144 = arith.muli %mul3A_143, %add3A_112 : i32
      %add3A_145 = arith.constant 2 : i32
      %add3A_146 = arith.addi %mul3A_144, %add3A_145 : i32
      %dma_start3A_147 = arith.constant 6 : i32
      %dma_start3A_148 = arith.constant 0 : i32
      %dma_start3A_149 = arith.constant 0 : i32
      %dma_start3A_150 = tpu.memref_slice %arg7[%dma_start3A_147, %dma_start3A_148, %dma_start3A_149] : memref<8x50x128xf32, #tpu.memory_space<vmem>> -> memref<1x50x128xf32, #tpu.memory_space<vmem>>
      %dma_start3A_151 = tpu.memref_squeeze %dma_start3A_150 : memref<1x50x128xf32, #tpu.memory_space<vmem>> -> memref<50x128xf32, #tpu.memory_space<vmem>>
      %dma_start3A_152 = arith.constant 0 : i32
      %dma_start3A_153 = tpu.memref_slice %arg6[%add3A_146, %dma_start3A_152] : memref<128x50xi32, #tpu.memory_space<vmem>> -> memref<1x50xi32, #tpu.memory_space<vmem>>
      %dma_start3A_154 = tpu.memref_squeeze %dma_start3A_153 : memref<1x50xi32, #tpu.memory_space<vmem>> -> memref<50xi32, #tpu.memory_space<vmem>>
      %dma_start3A_155 = arith.constant 0 : i32
      %dma_start3A_156 = arith.constant 0 : i32
      %dma_start3A_157 = tpu.memref_slice %arg3[%dma_start3A_155, %dma_start3A_156] : memref<102400x128xf32, #tpu.memory_space<hbm>> -> memref<102400x128xf32, #tpu.memory_space<hbm>>
      tpu.enqueue_indirect_dma source(%dma_start3A_157 : memref<102400x128xf32, #tpu.memory_space<hbm>>) target(%dma_start3A_151 : memref<50x128xf32, #tpu.memory_space<vmem>>) offsets(%dma_start3A_154 : memref<50xi32, #tpu.memory_space<vmem>>) semaphore(%arg9 : memref<!tpu.dma_semaphore, #tpu.memory_space<semaphore_mem>>)
      %mul3A_158 = arith.constant 4 : i32
      %mul3A_159 = arith.muli %mul3A_158, %add3A_112 : i32
      %add3A_160 = arith.constant 3 : i32
      %add3A_161 = arith.addi %mul3A_159, %add3A_160 : i32
      %dma_start3A_162 = arith.constant 7 : i32
      %dma_start3A_163 = arith.constant 0 : i32
      %dma_start3A_164 = arith.constant 0 : i32
      %dma_start3A_165 = tpu.memref_slice %arg7[%dma_start3A_162, %dma_start3A_163, %dma_start3A_164] : memref<8x50x128xf32, #tpu.memory_space<vmem>> -> memref<1x50x128xf32, #tpu.memory_space<vmem>>
      %dma_start3A_166 = tpu.memref_squeeze %dma_start3A_165 : memref<1x50x128xf32, #tpu.memory_space<vmem>> -> memref<50x128xf32, #tpu.memory_space<vmem>>
      %dma_start3A_167 = arith.constant 0 : i32
      %dma_start3A_168 = tpu.memref_slice %arg6[%add3A_161, %dma_start3A_167] : memref<128x50xi32, #tpu.memory_space<vmem>> -> memref<1x50xi32, #tpu.memory_space<vmem>>
      %dma_start3A_169 = tpu.memref_squeeze %dma_start3A_168 : memref<1x50xi32, #tpu.memory_space<vmem>> -> memref<50xi32, #tpu.memory_space<vmem>>
      %dma_start3A_170 = arith.constant 0 : i32
      %dma_start3A_171 = arith.constant 0 : i32
      %dma_start3A_172 = tpu.memref_slice %arg3[%dma_start3A_170, %dma_start3A_171] : memref<102400x128xf32, #tpu.memory_space<hbm>> -> memref<102400x128xf32, #tpu.memory_space<hbm>>
      tpu.enqueue_indirect_dma source(%dma_start3A_172 : memref<102400x128xf32, #tpu.memory_space<hbm>>) target(%dma_start3A_166 : memref<50x128xf32, #tpu.memory_space<vmem>>) offsets(%dma_start3A_169 : memref<50xi32, #tpu.memory_space<vmem>>) semaphore(%arg9 : memref<!tpu.dma_semaphore, #tpu.memory_space<semaphore_mem>>)
      %mul3A_173 = arith.constant 4 : i32
      %mul3A_174 = arith.muli %mul3A_173, %mul3A_110 : i32
      %add3A_175 = arith.constant 0 : i32
      %add3A_176 = arith.addi %mul3A_174, %add3A_175 : i32
      %dma_wait3A_177 = arith.constant 0 : i32
      %dma_wait3A_178 = arith.constant 0 : i32
      %dma_wait3A_179 = arith.constant 0 : i32
      %dma_wait3A_180 = tpu.memref_slice %arg7[%dma_wait3A_177, %dma_wait3A_178, %dma_wait3A_179] : memref<8x50x128xf32, #tpu.memory_space<vmem>> -> memref<1x50x128xf32, #tpu.memory_space<vmem>>
      %dma_wait3A_181 = tpu.memref_squeeze %dma_wait3A_180 : memref<1x50x128xf32, #tpu.memory_space<vmem>> -> memref<50x128xf32, #tpu.memory_space<vmem>>
      %dma_wait3A_182 = arith.constant 0 : i32
      %dma_wait3A_183 = tpu.memref_slice %arg6[%add3A_176, %dma_wait3A_182] : memref<128x50xi32, #tpu.memory_space<vmem>> -> memref<1x50xi32, #tpu.memory_space<vmem>>
      %dma_wait3A_184 = tpu.memref_squeeze %dma_wait3A_183 : memref<1x50xi32, #tpu.memory_space<vmem>> -> memref<50xi32, #tpu.memory_space<vmem>>
      %dma_wait3A_185 = arith.constant 0 : i32
      %dma_wait3A_186 = arith.constant 0 : i32
      %dma_wait3A_187 = tpu.memref_slice %arg3[%dma_wait3A_185, %dma_wait3A_186] : memref<102400x128xf32, #tpu.memory_space<hbm>> -> memref<102400x128xf32, #tpu.memory_space<hbm>>
      tpu.wait_indirect_dma semaphore(%arg8 : memref<!tpu.dma_semaphore, #tpu.memory_space<semaphore_mem>>) src(%dma_wait3A_187 : memref<102400x128xf32, #tpu.memory_space<hbm>>) dst(%dma_wait3A_181 : memref<50x128xf32, #tpu.memory_space<vmem>>)
      %mul3A_188 = arith.constant 4 : i32
      %mul3A_189 = arith.muli %mul3A_188, %mul3A_110 : i32
      %add3A_190 = arith.constant 1 : i32
      %add3A_191 = arith.addi %mul3A_189, %add3A_190 : i32
      %dma_wait3A_192 = arith.constant 1 : i32
      %dma_wait3A_193 = arith.constant 0 : i32
      %dma_wait3A_194 = arith.constant 0 : i32
      %dma_wait3A_195 = tpu.memref_slice %arg7[%dma_wait3A_192, %dma_wait3A_193, %dma_wait3A_194] : memref<8x50x128xf32, #tpu.memory_space<vmem>> -> memref<1x50x128xf32, #tpu.memory_space<vmem>>
      %dma_wait3A_196 = tpu.memref_squeeze %dma_wait3A_195 : memref<1x50x128xf32, #tpu.memory_space<vmem>> -> memref<50x128xf32, #tpu.memory_space<vmem>>
      %dma_wait3A_197 = arith.constant 0 : i32
      %dma_wait3A_198 = tpu.memref_slice %arg6[%add3A_191, %dma_wait3A_197] : memref<128x50xi32, #tpu.memory_space<vmem>> -> memref<1x50xi32, #tpu.memory_space<vmem>>
      %dma_wait3A_199 = tpu.memref_squeeze %dma_wait3A_198 : memref<1x50xi32, #tpu.memory_space<vmem>> -> memref<50xi32, #tpu.memory_space<vmem>>
      %dma_wait3A_200 = arith.constant 0 : i32
      %dma_wait3A_201 = arith.constant 0 : i32
      %dma_wait3A_202 = tpu.memref_slice %arg3[%dma_wait3A_200, %dma_wait3A_201] : memref<102400x128xf32, #tpu.memory_space<hbm>> -> memref<102400x128xf32, #tpu.memory_space<hbm>>
      tpu.wait_indirect_dma semaphore(%arg8 : memref<!tpu.dma_semaphore, #tpu.memory_space<semaphore_mem>>) src(%dma_wait3A_202 : memref<102400x128xf32, #tpu.memory_space<hbm>>) dst(%dma_wait3A_196 : memref<50x128xf32, #tpu.memory_space<vmem>>)
      %mul3A_203 = arith.constant 4 : i32
      %mul3A_204 = arith.muli %mul3A_203, %mul3A_110 : i32
      %add3A_205 = arith.constant 2 : i32
      %add3A_206 = arith.addi %mul3A_204, %add3A_205 : i32
      %dma_wait3A_207 = arith.constant 2 : i32
      %dma_wait3A_208 = arith.constant 0 : i32
      %dma_wait3A_209 = arith.constant 0 : i32
      %dma_wait3A_210 = tpu.memref_slice %arg7[%dma_wait3A_207, %dma_wait3A_208, %dma_wait3A_209] : memref<8x50x128xf32, #tpu.memory_space<vmem>> -> memref<1x50x128xf32, #tpu.memory_space<vmem>>
      %dma_wait3A_211 = tpu.memref_squeeze %dma_wait3A_210 : memref<1x50x128xf32, #tpu.memory_space<vmem>> -> memref<50x128xf32, #tpu.memory_space<vmem>>
      %dma_wait3A_212 = arith.constant 0 : i32
      %dma_wait3A_213 = tpu.memref_slice %arg6[%add3A_206, %dma_wait3A_212] : memref<128x50xi32, #tpu.memory_space<vmem>> -> memref<1x50xi32, #tpu.memory_space<vmem>>
      %dma_wait3A_214 = tpu.memref_squeeze %dma_wait3A_213 : memref<1x50xi32, #tpu.memory_space<vmem>> -> memref<50xi32, #tpu.memory_space<vmem>>
      %dma_wait3A_215 = arith.constant 0 : i32
      %dma_wait3A_216 = arith.constant 0 : i32
      %dma_wait3A_217 = tpu.memref_slice %arg3[%dma_wait3A_215, %dma_wait3A_216] : memref<102400x128xf32, #tpu.memory_space<hbm>> -> memref<102400x128xf32, #tpu.memory_space<hbm>>
      tpu.wait_indirect_dma semaphore(%arg8 : memref<!tpu.dma_semaphore, #tpu.memory_space<semaphore_mem>>) src(%dma_wait3A_217 : memref<102400x128xf32, #tpu.memory_space<hbm>>) dst(%dma_wait3A_211 : memref<50x128xf32, #tpu.memory_space<vmem>>)
      %mul3A_218 = arith.constant 4 : i32
      %mul3A_219 = arith.muli %mul3A_218, %mul3A_110 : i32
      %add3A_220 = arith.constant 3 : i32
      %add3A_221 = arith.addi %mul3A_219, %add3A_220 : i32
      %dma_wait3A_222 = arith.constant 3 : i32
      %dma_wait3A_223 = arith.constant 0 : i32
      %dma_wait3A_224 = arith.constant 0 : i32
      %dma_wait3A_225 = tpu.memref_slice %arg7[%dma_wait3A_222, %dma_wait3A_223, %dma_wait3A_224] : memref<8x50x128xf32, #tpu.memory_space<vmem>> -> memref<1x50x128xf32, #tpu.memory_space<vmem>>
      %dma_wait3A_226 = tpu.memref_squeeze %dma_wait3A_225 : memref<1x50x128xf32, #tpu.memory_space<vmem>> -> memref<50x128xf32, #tpu.memory_space<vmem>>
      %dma_wait3A_227 = arith.constant 0 : i32
      %dma_wait3A_228 = tpu.memref_slice %arg6[%add3A_221, %dma_wait3A_227] : memref<128x50xi32, #tpu.memory_space<vmem>> -> memref<1x50xi32, #tpu.memory_space<vmem>>
      %dma_wait3A_229 = tpu.memref_squeeze %dma_wait3A_228 : memref<1x50xi32, #tpu.memory_space<vmem>> -> memref<50xi32, #tpu.memory_space<vmem>>
      %dma_wait3A_230 = arith.constant 0 : i32
      %dma_wait3A_231 = arith.constant 0 : i32
      %dma_wait3A_232 = tpu.memref_slice %arg3[%dma_wait3A_230, %dma_wait3A_231] : memref<102400x128xf32, #tpu.memory_space<hbm>> -> memref<102400x128xf32, #tpu.memory_space<hbm>>
      tpu.wait_indirect_dma semaphore(%arg8 : memref<!tpu.dma_semaphore, #tpu.memory_space<semaphore_mem>>) src(%dma_wait3A_232 : memref<102400x128xf32, #tpu.memory_space<hbm>>) dst(%dma_wait3A_226 : memref<50x128xf32, #tpu.memory_space<vmem>>)
      %mul3A_233 = arith.constant 4 : i32
      %mul3A_234 = arith.muli %mul3A_233, %mul3A_110 : i32
      %add3A_235 = arith.addi %mul3A_2, %mul3A_234 : i32
      "tpu.region"() ({
        %run_scoped3A = tpu.sem_alloc : memref<!tpu.dma_semaphore, #tpu.memory_space<semaphore_mem>>
        %dma_start3A_362 = arith.constant 0 : i32
        %dma_start3A_363 = arith.constant 0 : i32
        %dma_start3A_364 = arith.constant 0 : i32
        %dma_start3A_365 = tpu.memref_slice %arg7[%dma_start3A_362, %dma_start3A_363, %dma_start3A_364] : memref<8x50x128xf32, #tpu.memory_space<vmem>> -> memref<4x50x128xf32, #tpu.memory_space<vmem>>
        %dma_start3A_366 = arith.constant 0 : i32
        %dma_start3A_367 = arith.constant 0 : i32
        %dma_start3A_368 = tpu.memref_slice %arg4[%add3A_235, %dma_start3A_366, %dma_start3A_367] : memref<4096x50x128xf32, #tpu.memory_space<hbm>> -> memref<4x50x128xf32, #tpu.memory_space<hbm>>
        %dma_start3A_369 = arith.constant 0 : i32
        %dma_start3A_370 = arith.constant 0 : i32
        %dma_start3A_371 = tpu.memref_slice %arg4[%add3A_235, %dma_start3A_369, %dma_start3A_370] : memref<4096x50x128xf32, #tpu.memory_space<hbm>> -> memref<4x50x128xf32, #tpu.memory_space<hbm>>
        %dma_start3A_372 = arith.constant 0 : i32
        %dma_start3A_373 = arith.constant 0 : i32
        %dma_start3A_374 = arith.constant 0 : i32
        %dma_start3A_375 = tpu.memref_slice %arg7[%dma_start3A_372, %dma_start3A_373, %dma_start3A_374] : memref<8x50x128xf32, #tpu.memory_space<vmem>> -> memref<4x50x128xf32, #tpu.memory_space<vmem>>
        tpu.enqueue_dma source(%dma_start3A_375 : memref<4x50x128xf32, #tpu.memory_space<vmem>>) target(%dma_start3A_371 : memref<4x50x128xf32, #tpu.memory_space<hbm>>) target_semaphore(%run_scoped3A : memref<!tpu.dma_semaphore, #tpu.memory_space<semaphore_mem>>)
        %dma_wait3A_376 = arith.constant 0 : i32
        %dma_wait3A_377 = arith.constant 0 : i32
        %dma_wait3A_378 = arith.constant 0 : i32
        %dma_wait3A_379 = tpu.memref_slice %arg7[%dma_wait3A_376, %dma_wait3A_377, %dma_wait3A_378] : memref<8x50x128xf32, #tpu.memory_space<vmem>> -> memref<4x50x128xf32, #tpu.memory_space<vmem>>
        %dma_wait3A_380 = arith.constant 0 : i32
        %dma_wait3A_381 = arith.constant 0 : i32
        %dma_wait3A_382 = tpu.memref_slice %arg4[%add3A_235, %dma_wait3A_380, %dma_wait3A_381] : memref<4096x50x128xf32, #tpu.memory_space<hbm>> -> memref<4x50x128xf32, #tpu.memory_space<hbm>>
        %dma_wait3A_383 = arith.constant 0 : i32
        %dma_wait3A_384 = arith.constant 0 : i32
        %dma_wait3A_385 = tpu.memref_slice %arg4[%add3A_235, %dma_wait3A_383, %dma_wait3A_384] : memref<4096x50x128xf32, #tpu.memory_space<hbm>> -> memref<4x50x128xf32, #tpu.memory_space<hbm>>
        %dma_wait3A_386 = arith.constant 0 : i32
        %dma_wait3A_387 = arith.constant 0 : i32
        %dma_wait3A_388 = arith.constant 0 : i32
        %dma_wait3A_389 = tpu.memref_slice %arg7[%dma_wait3A_386, %dma_wait3A_387, %dma_wait3A_388] : memref<8x50x128xf32, #tpu.memory_space<vmem>> -> memref<4x50x128xf32, #tpu.memory_space<vmem>>
        tpu.wait_dma2 semaphore(%run_scoped3A : memref<!tpu.dma_semaphore, #tpu.memory_space<semaphore_mem>>) src(%dma_wait3A_389 : memref<4x50x128xf32, #tpu.memory_space<vmem>>) dst(%dma_wait3A_385 : memref<4x50x128xf32, #tpu.memory_space<hbm>>)
        tpu.yield
      }) : () -> ()
      %add3A_236 = arith.constant 2 : i32
      %add3A_237 = arith.addi %mul3A_110, %add3A_236 : i32
      %min3A = arith.constant 31 : i32
      %min3A_238 = arith.minsi %add3A_237, %min3A : i32
      %mul3A_239 = arith.constant 4 : i32
      %mul3A_240 = arith.muli %mul3A_239, %min3A_238 : i32
      %add3A_241 = arith.constant 0 : i32
      %add3A_242 = arith.addi %mul3A_240, %add3A_241 : i32
      %dma_start3A_243 = arith.constant 0 : i32
      %dma_start3A_244 = arith.constant 0 : i32
      %dma_start3A_245 = arith.constant 0 : i32
      %dma_start3A_246 = tpu.memref_slice %arg7[%dma_start3A_243, %dma_start3A_244, %dma_start3A_245] : memref<8x50x128xf32, #tpu.memory_space<vmem>> -> memref<1x50x128xf32, #tpu.memory_space<vmem>>
      %dma_start3A_247 = tpu.memref_squeeze %dma_start3A_246 : memref<1x50x128xf32, #tpu.memory_space<vmem>> -> memref<50x128xf32, #tpu.memory_space<vmem>>
      %dma_start3A_248 = arith.constant 0 : i32
      %dma_start3A_249 = tpu.memref_slice %arg6[%add3A_242, %dma_start3A_248] : memref<128x50xi32, #tpu.memory_space<vmem>> -> memref<1x50xi32, #tpu.memory_space<vmem>>
      %dma_start3A_250 = tpu.memref_squeeze %dma_start3A_249 : memref<1x50xi32, #tpu.memory_space<vmem>> -> memref<50xi32, #tpu.memory_space<vmem>>
      %dma_start3A_251 = arith.constant 0 : i32
      %dma_start3A_252 = arith.constant 0 : i32
      %dma_start3A_253 = tpu.memref_slice %arg3[%dma_start3A_251, %dma_start3A_252] : memref<102400x128xf32, #tpu.memory_space<hbm>> -> memref<102400x128xf32, #tpu.memory_space<hbm>>
      tpu.enqueue_indirect_dma source(%dma_start3A_253 : memref<102400x128xf32, #tpu.memory_space<hbm>>) target(%dma_start3A_247 : memref<50x128xf32, #tpu.memory_space<vmem>>) offsets(%dma_start3A_250 : memref<50xi32, #tpu.memory_space<vmem>>) semaphore(%arg8 : memref<!tpu.dma_semaphore, #tpu.memory_space<semaphore_mem>>)
      %mul3A_254 = arith.constant 4 : i32
      %mul3A_255 = arith.muli %mul3A_254, %min3A_238 : i32
      %add3A_256 = arith.constant 1 : i32
      %add3A_257 = arith.addi %mul3A_255, %add3A_256 : i32
      %dma_start3A_258 = arith.constant 1 : i32
      %dma_start3A_259 = arith.constant 0 : i32
      %dma_start3A_260 = arith.constant 0 : i32
      %dma_start3A_261 = tpu.memref_slice %arg7[%dma_start3A_258, %dma_start3A_259, %dma_start3A_260] : memref<8x50x128xf32, #tpu.memory_space<vmem>> -> memref<1x50x128xf32, #tpu.memory_space<vmem>>
      %dma_start3A_262 = tpu.memref_squeeze %dma_start3A_261 : memref<1x50x128xf32, #tpu.memory_space<vmem>> -> memref<50x128xf32, #tpu.memory_space<vmem>>
      %dma_start3A_263 = arith.constant 0 : i32
      %dma_start3A_264 = tpu.memref_slice %arg6[%add3A_257, %dma_start3A_263] : memref<128x50xi32, #tpu.memory_space<vmem>> -> memref<1x50xi32, #tpu.memory_space<vmem>>
      %dma_start3A_265 = tpu.memref_squeeze %dma_start3A_264 : memref<1x50xi32, #tpu.memory_space<vmem>> -> memref<50xi32, #tpu.memory_space<vmem>>
      %dma_start3A_266 = arith.constant 0 : i32
      %dma_start3A_267 = arith.constant 0 : i32
      %dma_start3A_268 = tpu.memref_slice %arg3[%dma_start3A_266, %dma_start3A_267] : memref<102400x128xf32, #tpu.memory_space<hbm>> -> memref<102400x128xf32, #tpu.memory_space<hbm>>
      tpu.enqueue_indirect_dma source(%dma_start3A_268 : memref<102400x128xf32, #tpu.memory_space<hbm>>) target(%dma_start3A_262 : memref<50x128xf32, #tpu.memory_space<vmem>>) offsets(%dma_start3A_265 : memref<50xi32, #tpu.memory_space<vmem>>) semaphore(%arg8 : memref<!tpu.dma_semaphore, #tpu.memory_space<semaphore_mem>>)
      %mul3A_269 = arith.constant 4 : i32
      %mul3A_270 = arith.muli %mul3A_269, %min3A_238 : i32
      %add3A_271 = arith.constant 2 : i32
      %add3A_272 = arith.addi %mul3A_270, %add3A_271 : i32
      %dma_start3A_273 = arith.constant 2 : i32
      %dma_start3A_274 = arith.constant 0 : i32
      %dma_start3A_275 = arith.constant 0 : i32
      %dma_start3A_276 = tpu.memref_slice %arg7[%dma_start3A_273, %dma_start3A_274, %dma_start3A_275] : memref<8x50x128xf32, #tpu.memory_space<vmem>> -> memref<1x50x128xf32, #tpu.memory_space<vmem>>
      %dma_start3A_277 = tpu.memref_squeeze %dma_start3A_276 : memref<1x50x128xf32, #tpu.memory_space<vmem>> -> memref<50x128xf32, #tpu.memory_space<vmem>>
      %dma_start3A_278 = arith.constant 0 : i32
      %dma_start3A_279 = tpu.memref_slice %arg6[%add3A_272, %dma_start3A_278] : memref<128x50xi32, #tpu.memory_space<vmem>> -> memref<1x50xi32, #tpu.memory_space<vmem>>
      %dma_start3A_280 = tpu.memref_squeeze %dma_start3A_279 : memref<1x50xi32, #tpu.memory_space<vmem>> -> memref<50xi32, #tpu.memory_space<vmem>>
      %dma_start3A_281 = arith.constant 0 : i32
      %dma_start3A_282 = arith.constant 0 : i32
      %dma_start3A_283 = tpu.memref_slice %arg3[%dma_start3A_281, %dma_start3A_282] : memref<102400x128xf32, #tpu.memory_space<hbm>> -> memref<102400x128xf32, #tpu.memory_space<hbm>>
      tpu.enqueue_indirect_dma source(%dma_start3A_283 : memref<102400x128xf32, #tpu.memory_space<hbm>>) target(%dma_start3A_277 : memref<50x128xf32, #tpu.memory_space<vmem>>) offsets(%dma_start3A_280 : memref<50xi32, #tpu.memory_space<vmem>>) semaphore(%arg8 : memref<!tpu.dma_semaphore, #tpu.memory_space<semaphore_mem>>)
      %mul3A_284 = arith.constant 4 : i32
      %mul3A_285 = arith.muli %mul3A_284, %min3A_238 : i32
      %add3A_286 = arith.constant 3 : i32
      %add3A_287 = arith.addi %mul3A_285, %add3A_286 : i32
      %dma_start3A_288 = arith.constant 3 : i32
      %dma_start3A_289 = arith.constant 0 : i32
      %dma_start3A_290 = arith.constant 0 : i32
      %dma_start3A_291 = tpu.memref_slice %arg7[%dma_start3A_288, %dma_start3A_289, %dma_start3A_290] : memref<8x50x128xf32, #tpu.memory_space<vmem>> -> memref<1x50x128xf32, #tpu.memory_space<vmem>>
      %dma_start3A_292 = tpu.memref_squeeze %dma_start3A_291 : memref<1x50x128xf32, #tpu.memory_space<vmem>> -> memref<50x128xf32, #tpu.memory_space<vmem>>
      %dma_start3A_293 = arith.constant 0 : i32
      %dma_start3A_294 = tpu.memref_slice %arg6[%add3A_287, %dma_start3A_293] : memref<128x50xi32, #tpu.memory_space<vmem>> -> memref<1x50xi32, #tpu.memory_space<vmem>>
      %dma_start3A_295 = tpu.memref_squeeze %dma_start3A_294 : memref<1x50xi32, #tpu.memory_space<vmem>> -> memref<50xi32, #tpu.memory_space<vmem>>
      %dma_start3A_296 = arith.constant 0 : i32
      %dma_start3A_297 = arith.constant 0 : i32
      %dma_start3A_298 = tpu.memref_slice %arg3[%dma_start3A_296, %dma_start3A_297] : memref<102400x128xf32, #tpu.memory_space<hbm>> -> memref<102400x128xf32, #tpu.memory_space<hbm>>
      tpu.enqueue_indirect_dma source(%dma_start3A_298 : memref<102400x128xf32, #tpu.memory_space<hbm>>) target(%dma_start3A_292 : memref<50x128xf32, #tpu.memory_space<vmem>>) offsets(%dma_start3A_295 : memref<50xi32, #tpu.memory_space<vmem>>) semaphore(%arg8 : memref<!tpu.dma_semaphore, #tpu.memory_space<semaphore_mem>>)
      %mul3A_299 = arith.constant 4 : i32
      %mul3A_300 = arith.muli %mul3A_299, %add3A_112 : i32
      %add3A_301 = arith.constant 0 : i32
      %add3A_302 = arith.addi %mul3A_300, %add3A_301 : i32
      %dma_wait3A_303 = arith.constant 4 : i32
      %dma_wait3A_304 = arith.constant 0 : i32
      %dma_wait3A_305 = arith.constant 0 : i32
      %dma_wait3A_306 = tpu.memref_slice %arg7[%dma_wait3A_303, %dma_wait3A_304, %dma_wait3A_305] : memref<8x50x128xf32, #tpu.memory_space<vmem>> -> memref<1x50x128xf32, #tpu.memory_space<vmem>>
      %dma_wait3A_307 = tpu.memref_squeeze %dma_wait3A_306 : memref<1x50x128xf32, #tpu.memory_space<vmem>> -> memref<50x128xf32, #tpu.memory_space<vmem>>
      %dma_wait3A_308 = arith.constant 0 : i32
      %dma_wait3A_309 = tpu.memref_slice %arg6[%add3A_302, %dma_wait3A_308] : memref<128x50xi32, #tpu.memory_space<vmem>> -> memref<1x50xi32, #tpu.memory_space<vmem>>
      %dma_wait3A_310 = tpu.memref_squeeze %dma_wait3A_309 : memref<1x50xi32, #tpu.memory_space<vmem>> -> memref<50xi32, #tpu.memory_space<vmem>>
      %dma_wait3A_311 = arith.constant 0 : i32
      %dma_wait3A_312 = arith.constant 0 : i32
      %dma_wait3A_313 = tpu.memref_slice %arg3[%dma_wait3A_311, %dma_wait3A_312] : memref<102400x128xf32, #tpu.memory_space<hbm>> -> memref<102400x128xf32, #tpu.memory_space<hbm>>
      tpu.wait_indirect_dma semaphore(%arg9 : memref<!tpu.dma_semaphore, #tpu.memory_space<semaphore_mem>>) src(%dma_wait3A_313 : memref<102400x128xf32, #tpu.memory_space<hbm>>) dst(%dma_wait3A_307 : memref<50x128xf32, #tpu.memory_space<vmem>>)
      %mul3A_314 = arith.constant 4 : i32
      %mul3A_315 = arith.muli %mul3A_314, %add3A_112 : i32
      %add3A_316 = arith.constant 1 : i32
      %add3A_317 = arith.addi %mul3A_315, %add3A_316 : i32
      %dma_wait3A_318 = arith.constant 5 : i32
      %dma_wait3A_319 = arith.constant 0 : i32
      %dma_wait3A_320 = arith.constant 0 : i32
      %dma_wait3A_321 = tpu.memref_slice %arg7[%dma_wait3A_318, %dma_wait3A_319, %dma_wait3A_320] : memref<8x50x128xf32, #tpu.memory_space<vmem>> -> memref<1x50x128xf32, #tpu.memory_space<vmem>>
      %dma_wait3A_322 = tpu.memref_squeeze %dma_wait3A_321 : memref<1x50x128xf32, #tpu.memory_space<vmem>> -> memref<50x128xf32, #tpu.memory_space<vmem>>
      %dma_wait3A_323 = arith.constant 0 : i32
      %dma_wait3A_324 = tpu.memref_slice %arg6[%add3A_317, %dma_wait3A_323] : memref<128x50xi32, #tpu.memory_space<vmem>> -> memref<1x50xi32, #tpu.memory_space<vmem>>
      %dma_wait3A_325 = tpu.memref_squeeze %dma_wait3A_324 : memref<1x50xi32, #tpu.memory_space<vmem>> -> memref<50xi32, #tpu.memory_space<vmem>>
      %dma_wait3A_326 = arith.constant 0 : i32
      %dma_wait3A_327 = arith.constant 0 : i32
      %dma_wait3A_328 = tpu.memref_slice %arg3[%dma_wait3A_326, %dma_wait3A_327] : memref<102400x128xf32, #tpu.memory_space<hbm>> -> memref<102400x128xf32, #tpu.memory_space<hbm>>
      tpu.wait_indirect_dma semaphore(%arg9 : memref<!tpu.dma_semaphore, #tpu.memory_space<semaphore_mem>>) src(%dma_wait3A_328 : memref<102400x128xf32, #tpu.memory_space<hbm>>) dst(%dma_wait3A_322 : memref<50x128xf32, #tpu.memory_space<vmem>>)
      %mul3A_329 = arith.constant 4 : i32
      %mul3A_330 = arith.muli %mul3A_329, %add3A_112 : i32
      %add3A_331 = arith.constant 2 : i32
      %add3A_332 = arith.addi %mul3A_330, %add3A_331 : i32
      %dma_wait3A_333 = arith.constant 6 : i32
      %dma_wait3A_334 = arith.constant 0 : i32
      %dma_wait3A_335 = arith.constant 0 : i32
      %dma_wait3A_336 = tpu.memref_slice %arg7[%dma_wait3A_333, %dma_wait3A_334, %dma_wait3A_335] : memref<8x50x128xf32, #tpu.memory_space<vmem>> -> memref<1x50x128xf32, #tpu.memory_space<vmem>>
      %dma_wait3A_337 = tpu.memref_squeeze %dma_wait3A_336 : memref<1x50x128xf32, #tpu.memory_space<vmem>> -> memref<50x128xf32, #tpu.memory_space<vmem>>
      %dma_wait3A_338 = arith.constant 0 : i32
      %dma_wait3A_339 = tpu.memref_slice %arg6[%add3A_332, %dma_wait3A_338] : memref<128x50xi32, #tpu.memory_space<vmem>> -> memref<1x50xi32, #tpu.memory_space<vmem>>
      %dma_wait3A_340 = tpu.memref_squeeze %dma_wait3A_339 : memref<1x50xi32, #tpu.memory_space<vmem>> -> memref<50xi32, #tpu.memory_space<vmem>>
      %dma_wait3A_341 = arith.constant 0 : i32
      %dma_wait3A_342 = arith.constant 0 : i32
      %dma_wait3A_343 = tpu.memref_slice %arg3[%dma_wait3A_341, %dma_wait3A_342] : memref<102400x128xf32, #tpu.memory_space<hbm>> -> memref<102400x128xf32, #tpu.memory_space<hbm>>
      tpu.wait_indirect_dma semaphore(%arg9 : memref<!tpu.dma_semaphore, #tpu.memory_space<semaphore_mem>>) src(%dma_wait3A_343 : memref<102400x128xf32, #tpu.memory_space<hbm>>) dst(%dma_wait3A_337 : memref<50x128xf32, #tpu.memory_space<vmem>>)
      %mul3A_344 = arith.constant 4 : i32
      %mul3A_345 = arith.muli %mul3A_344, %add3A_112 : i32
      %add3A_346 = arith.constant 3 : i32
      %add3A_347 = arith.addi %mul3A_345, %add3A_346 : i32
      %dma_wait3A_348 = arith.constant 7 : i32
      %dma_wait3A_349 = arith.constant 0 : i32
      %dma_wait3A_350 = arith.constant 0 : i32
      %dma_wait3A_351 = tpu.memref_slice %arg7[%dma_wait3A_348, %dma_wait3A_349, %dma_wait3A_350] : memref<8x50x128xf32, #tpu.memory_space<vmem>> -> memref<1x50x128xf32, #tpu.memory_space<vmem>>
      %dma_wait3A_352 = tpu.memref_squeeze %dma_wait3A_351 : memref<1x50x128xf32, #tpu.memory_space<vmem>> -> memref<50x128xf32, #tpu.memory_space<vmem>>
      %dma_wait3A_353 = arith.constant 0 : i32
      %dma_wait3A_354 = tpu.memref_slice %arg6[%add3A_347, %dma_wait3A_353] : memref<128x50xi32, #tpu.memory_space<vmem>> -> memref<1x50xi32, #tpu.memory_space<vmem>>
      %dma_wait3A_355 = tpu.memref_squeeze %dma_wait3A_354 : memref<1x50xi32, #tpu.memory_space<vmem>> -> memref<50xi32, #tpu.memory_space<vmem>>
      %dma_wait3A_356 = arith.constant 0 : i32
      %dma_wait3A_357 = arith.constant 0 : i32
      %dma_wait3A_358 = tpu.memref_slice %arg3[%dma_wait3A_356, %dma_wait3A_357] : memref<102400x128xf32, #tpu.memory_space<hbm>> -> memref<102400x128xf32, #tpu.memory_space<hbm>>
      tpu.wait_indirect_dma semaphore(%arg9 : memref<!tpu.dma_semaphore, #tpu.memory_space<semaphore_mem>>) src(%dma_wait3A_358 : memref<102400x128xf32, #tpu.memory_space<hbm>>) dst(%dma_wait3A_352 : memref<50x128xf32, #tpu.memory_space<vmem>>)
      %mul3A_359 = arith.constant 4 : i32
      %mul3A_360 = arith.muli %mul3A_359, %add3A_112 : i32
      %add3A_361 = arith.addi %mul3A_2, %mul3A_360 : i32
      "tpu.region"() ({
        %run_scoped3A = tpu.sem_alloc : memref<!tpu.dma_semaphore, #tpu.memory_space<semaphore_mem>>
        %dma_start3A_362 = arith.constant 4 : i32
        %dma_start3A_363 = arith.constant 0 : i32
        %dma_start3A_364 = arith.constant 0 : i32
        %dma_start3A_365 = tpu.memref_slice %arg7[%dma_start3A_362, %dma_start3A_363, %dma_start3A_364] : memref<8x50x128xf32, #tpu.memory_space<vmem>> -> memref<4x50x128xf32, #tpu.memory_space<vmem>>
        %dma_start3A_366 = arith.constant 0 : i32
        %dma_start3A_367 = arith.constant 0 : i32
        %dma_start3A_368 = tpu.memref_slice %arg4[%add3A_361, %dma_start3A_366, %dma_start3A_367] : memref<4096x50x128xf32, #tpu.memory_space<hbm>> -> memref<4x50x128xf32, #tpu.memory_space<hbm>>
        %dma_start3A_369 = arith.constant 0 : i32
        %dma_start3A_370 = arith.constant 0 : i32
        %dma_start3A_371 = tpu.memref_slice %arg4[%add3A_361, %dma_start3A_369, %dma_start3A_370] : memref<4096x50x128xf32, #tpu.memory_space<hbm>> -> memref<4x50x128xf32, #tpu.memory_space<hbm>>
        %dma_start3A_372 = arith.constant 4 : i32
        %dma_start3A_373 = arith.constant 0 : i32
        %dma_start3A_374 = arith.constant 0 : i32
        %dma_start3A_375 = tpu.memref_slice %arg7[%dma_start3A_372, %dma_start3A_373, %dma_start3A_374] : memref<8x50x128xf32, #tpu.memory_space<vmem>> -> memref<4x50x128xf32, #tpu.memory_space<vmem>>
        tpu.enqueue_dma source(%dma_start3A_375 : memref<4x50x128xf32, #tpu.memory_space<vmem>>) target(%dma_start3A_371 : memref<4x50x128xf32, #tpu.memory_space<hbm>>) target_semaphore(%run_scoped3A : memref<!tpu.dma_semaphore, #tpu.memory_space<semaphore_mem>>)
        %dma_wait3A_376 = arith.constant 4 : i32
        %dma_wait3A_377 = arith.constant 0 : i32
        %dma_wait3A_378 = arith.constant 0 : i32
        %dma_wait3A_379 = tpu.memref_slice %arg7[%dma_wait3A_376, %dma_wait3A_377, %dma_wait3A_378] : memref<8x50x128xf32, #tpu.memory_space<vmem>> -> memref<4x50x128xf32, #tpu.memory_space<vmem>>
        %dma_wait3A_380 = arith.constant 0 : i32
        %dma_wait3A_381 = arith.constant 0 : i32
        %dma_wait3A_382 = tpu.memref_slice %arg4[%add3A_361, %dma_wait3A_380, %dma_wait3A_381] : memref<4096x50x128xf32, #tpu.memory_space<hbm>> -> memref<4x50x128xf32, #tpu.memory_space<hbm>>
        %dma_wait3A_383 = arith.constant 0 : i32
        %dma_wait3A_384 = arith.constant 0 : i32
        %dma_wait3A_385 = tpu.memref_slice %arg4[%add3A_361, %dma_wait3A_383, %dma_wait3A_384] : memref<4096x50x128xf32, #tpu.memory_space<hbm>> -> memref<4x50x128xf32, #tpu.memory_space<hbm>>
        %dma_wait3A_386 = arith.constant 4 : i32
        %dma_wait3A_387 = arith.constant 0 : i32
        %dma_wait3A_388 = arith.constant 0 : i32
        %dma_wait3A_389 = tpu.memref_slice %arg7[%dma_wait3A_386, %dma_wait3A_387, %dma_wait3A_388] : memref<8x50x128xf32, #tpu.memory_space<vmem>> -> memref<4x50x128xf32, #tpu.memory_space<vmem>>
        tpu.wait_dma2 semaphore(%run_scoped3A : memref<!tpu.dma_semaphore, #tpu.memory_space<semaphore_mem>>) src(%dma_wait3A_389 : memref<4x50x128xf32, #tpu.memory_space<vmem>>) dst(%dma_wait3A_385 : memref<4x50x128xf32, #tpu.memory_space<hbm>>)
        tpu.yield
      }) : () -> ()
    }
    %scan3A_60 = arith.constant 16 : i32
    %dma_wait3A = arith.constant 124 : i32
    %dma_wait3A_61 = arith.constant 0 : i32
    %dma_wait3A_62 = arith.constant 0 : i32
    %dma_wait3A_63 = arith.constant 0 : i32
    %dma_wait3A_64 = tpu.memref_slice %arg7[%dma_wait3A_61, %dma_wait3A_62, %dma_wait3A_63] : memref<8x50x128xf32, #tpu.memory_space<vmem>> -> memref<1x50x128xf32, #tpu.memory_space<vmem>>
    %dma_wait3A_65 = tpu.memref_squeeze %dma_wait3A_64 : memref<1x50x128xf32, #tpu.memory_space<vmem>> -> memref<50x128xf32, #tpu.memory_space<vmem>>
    %dma_wait3A_66 = arith.constant 0 : i32
    %dma_wait3A_67 = tpu.memref_slice %arg6[%dma_wait3A, %dma_wait3A_66] : memref<128x50xi32, #tpu.memory_space<vmem>> -> memref<1x50xi32, #tpu.memory_space<vmem>>
    %dma_wait3A_68 = tpu.memref_squeeze %dma_wait3A_67 : memref<1x50xi32, #tpu.memory_space<vmem>> -> memref<50xi32, #tpu.memory_space<vmem>>
    %dma_wait3A_69 = arith.constant 0 : i32
    %dma_wait3A_70 = arith.constant 0 : i32
    %dma_wait3A_71 = tpu.memref_slice %arg3[%dma_wait3A_69, %dma_wait3A_70] : memref<102400x128xf32, #tpu.memory_space<hbm>> -> memref<102400x128xf32, #tpu.memory_space<hbm>>
    tpu.wait_indirect_dma semaphore(%arg8 : memref<!tpu.dma_semaphore, #tpu.memory_space<semaphore_mem>>) src(%dma_wait3A_71 : memref<102400x128xf32, #tpu.memory_space<hbm>>) dst(%dma_wait3A_65 : memref<50x128xf32, #tpu.memory_space<vmem>>)
    %dma_wait3A_72 = arith.constant 125 : i32
    %dma_wait3A_73 = arith.constant 1 : i32
    %dma_wait3A_74 = arith.constant 0 : i32
    %dma_wait3A_75 = arith.constant 0 : i32
    %dma_wait3A_76 = tpu.memref_slice %arg7[%dma_wait3A_73, %dma_wait3A_74, %dma_wait3A_75] : memref<8x50x128xf32, #tpu.memory_space<vmem>> -> memref<1x50x128xf32, #tpu.memory_space<vmem>>
    %dma_wait3A_77 = tpu.memref_squeeze %dma_wait3A_76 : memref<1x50x128xf32, #tpu.memory_space<vmem>> -> memref<50x128xf32, #tpu.memory_space<vmem>>
    %dma_wait3A_78 = arith.constant 0 : i32
    %dma_wait3A_79 = tpu.memref_slice %arg6[%dma_wait3A_72, %dma_wait3A_78] : memref<128x50xi32, #tpu.memory_space<vmem>> -> memref<1x50xi32, #tpu.memory_space<vmem>>
    %dma_wait3A_80 = tpu.memref_squeeze %dma_wait3A_79 : memref<1x50xi32, #tpu.memory_space<vmem>> -> memref<50xi32, #tpu.memory_space<vmem>>
    %dma_wait3A_81 = arith.constant 0 : i32
    %dma_wait3A_82 = arith.constant 0 : i32
    %dma_wait3A_83 = tpu.memref_slice %arg3[%dma_wait3A_81, %dma_wait3A_82] : memref<102400x128xf32, #tpu.memory_space<hbm>> -> memref<102400x128xf32, #tpu.memory_space<hbm>>
    tpu.wait_indirect_dma semaphore(%arg8 : memref<!tpu.dma_semaphore, #tpu.memory_space<semaphore_mem>>) src(%dma_wait3A_83 : memref<102400x128xf32, #tpu.memory_space<hbm>>) dst(%dma_wait3A_77 : memref<50x128xf32, #tpu.memory_space<vmem>>)
    %dma_wait3A_84 = arith.constant 126 : i32
    %dma_wait3A_85 = arith.constant 2 : i32
    %dma_wait3A_86 = arith.constant 0 : i32
    %dma_wait3A_87 = arith.constant 0 : i32
    %dma_wait3A_88 = tpu.memref_slice %arg7[%dma_wait3A_85, %dma_wait3A_86, %dma_wait3A_87] : memref<8x50x128xf32, #tpu.memory_space<vmem>> -> memref<1x50x128xf32, #tpu.memory_space<vmem>>
    %dma_wait3A_89 = tpu.memref_squeeze %dma_wait3A_88 : memref<1x50x128xf32, #tpu.memory_space<vmem>> -> memref<50x128xf32, #tpu.memory_space<vmem>>
    %dma_wait3A_90 = arith.constant 0 : i32
    %dma_wait3A_91 = tpu.memref_slice %arg6[%dma_wait3A_84, %dma_wait3A_90] : memref<128x50xi32, #tpu.memory_space<vmem>> -> memref<1x50xi32, #tpu.memory_space<vmem>>
    %dma_wait3A_92 = tpu.memref_squeeze %dma_wait3A_91 : memref<1x50xi32, #tpu.memory_space<vmem>> -> memref<50xi32, #tpu.memory_space<vmem>>
    %dma_wait3A_93 = arith.constant 0 : i32
    %dma_wait3A_94 = arith.constant 0 : i32
    %dma_wait3A_95 = tpu.memref_slice %arg3[%dma_wait3A_93, %dma_wait3A_94] : memref<102400x128xf32, #tpu.memory_space<hbm>> -> memref<102400x128xf32, #tpu.memory_space<hbm>>
    tpu.wait_indirect_dma semaphore(%arg8 : memref<!tpu.dma_semaphore, #tpu.memory_space<semaphore_mem>>) src(%dma_wait3A_95 : memref<102400x128xf32, #tpu.memory_space<hbm>>) dst(%dma_wait3A_89 : memref<50x128xf32, #tpu.memory_space<vmem>>)
    %dma_wait3A_96 = arith.constant 127 : i32
    %dma_wait3A_97 = arith.constant 3 : i32
    %dma_wait3A_98 = arith.constant 0 : i32
    %dma_wait3A_99 = arith.constant 0 : i32
    %dma_wait3A_100 = tpu.memref_slice %arg7[%dma_wait3A_97, %dma_wait3A_98, %dma_wait3A_99] : memref<8x50x128xf32, #tpu.memory_space<vmem>> -> memref<1x50x128xf32, #tpu.memory_space<vmem>>
    %dma_wait3A_101 = tpu.memref_squeeze %dma_wait3A_100 : memref<1x50x128xf32, #tpu.memory_space<vmem>> -> memref<50x128xf32, #tpu.memory_space<vmem>>
    %dma_wait3A_102 = arith.constant 0 : i32
    %dma_wait3A_103 = tpu.memref_slice %arg6[%dma_wait3A_96, %dma_wait3A_102] : memref<128x50xi32, #tpu.memory_space<vmem>> -> memref<1x50xi32, #tpu.memory_space<vmem>>
    %dma_wait3A_104 = tpu.memref_squeeze %dma_wait3A_103 : memref<1x50xi32, #tpu.memory_space<vmem>> -> memref<50xi32, #tpu.memory_space<vmem>>
    %dma_wait3A_105 = arith.constant 0 : i32
    %dma_wait3A_106 = arith.constant 0 : i32
    %dma_wait3A_107 = tpu.memref_slice %arg3[%dma_wait3A_105, %dma_wait3A_106] : memref<102400x128xf32, #tpu.memory_space<hbm>> -> memref<102400x128xf32, #tpu.memory_space<hbm>>
    tpu.wait_indirect_dma semaphore(%arg8 : memref<!tpu.dma_semaphore, #tpu.memory_space<semaphore_mem>>) src(%dma_wait3A_107 : memref<102400x128xf32, #tpu.memory_space<hbm>>) dst(%dma_wait3A_101 : memref<50x128xf32, #tpu.memory_space<vmem>>)
    return
  }
}

module attributes {stable_mosaic.version = 14 : i64} {
  func.func @_table_body(%arg0: i32, %arg1: memref<2048x128xf32, #tpu.memory_space<vmem>>, %arg2: memref<2048x64xf32, #tpu.memory_space<vmem>>, %arg3: memref<2048x32xf32, #tpu.memory_space<vmem>>, %arg4: memref<2048x16xf32, #tpu.memory_space<vmem>>, %arg5: memref<64x128xf32, #tpu.memory_space<vmem>>, %arg6: memref<32x128xf32, #tpu.memory_space<vmem>>, %arg7: memref<16x128xf32, #tpu.memory_space<vmem>>, %arg8: memref<2048x128xf32, #tpu.memory_space<vmem>>) attributes {dimension_semantics = [#tpu.dimension_semantics<arbitrary>], iteration_bounds = array<i64: 50>, scalar_prefetch = 0 : i64, scratch_operands = 0 : i64, tpu.core_type = #tpu.core_type<tc>, window_params = [{transform_indices = @transform_0, window_bounds = array<i64: 2048, 128>}, {transform_indices = @transform_1, window_bounds = array<i64: 2048, 64>}, {transform_indices = @transform_2, window_bounds = array<i64: 2048, 32>}, {transform_indices = @transform_3, window_bounds = array<i64: 2048, 16>}, {pipeline_mode = #tpu.pipeline_mode<synchronous>, transform_indices = @transform_4, window_bounds = array<i64: 64, 128>}, {pipeline_mode = #tpu.pipeline_mode<synchronous>, transform_indices = @transform_5, window_bounds = array<i64: 32, 128>}, {pipeline_mode = #tpu.pipeline_mode<synchronous>, transform_indices = @transform_6, window_bounds = array<i64: 16, 128>}, {transform_indices = @transform_7, window_bounds = array<i64: 2048, 128>}]} {
    %lt3A = arith.constant 5 : i32
    %lt3A_0 = arith.cmpi slt, %arg0, %lt3A : i32
    %convert_element_type3A = arith.extui %lt3A_0 : i1 to i32
    %cond3A = arith.constant 0 : i32
    %cond3A_1 = arith.cmpi ne, %convert_element_type3A, %cond3A : i32
    scf.if %cond3A_1 {
      %get3A = arith.constant 0 : index
      %get3A_21 = arith.constant 0 : index
      %get3A_22 = vector.load %arg1[%get3A, %get3A_21] : memref<2048x128xf32, #tpu.memory_space<vmem>>, vector<2048x128xf32>
      %swap3A = arith.constant 0 : index
      %swap3A_23 = arith.constant 0 : index
      %swap3A_24 = vector.load %arg8[%swap3A, %swap3A_23] : memref<2048x128xf32, #tpu.memory_space<vmem>>, vector<2048x128xf32>
      tpu.vector_store %arg8[%swap3A, %swap3A_23], %get3A_22 {strides = array<i32>} : memref<2048x128xf32, #tpu.memory_space<vmem>>, vector<2048x128xf32>,
    } else {
    }
    %ge3A = arith.constant 5 : i32
    %ge3A_2 = arith.cmpi sge, %arg0, %ge3A : i32
    %lt3A_3 = arith.constant 10 : i32
    %lt3A_4 = arith.cmpi slt, %arg0, %lt3A_3 : i32
    %and3A = arith.andi %ge3A_2, %lt3A_4 : i1
    %convert_element_type3A_5 = arith.extui %and3A : i1 to i32
    %cond3A_6 = arith.constant 0 : i32
    %cond3A_7 = arith.cmpi ne, %convert_element_type3A_5, %cond3A_6 : i32
    scf.if %cond3A_7 {
      %get3A = arith.constant 0 : index
      %get3A_21 = arith.constant 0 : index
      %get3A_22 = vector.load %arg2[%get3A, %get3A_21] : memref<2048x64xf32, #tpu.memory_space<vmem>>, vector<2048x64xf32>
      %get3A_23 = arith.constant 0 : index
      %get3A_24 = arith.constant 0 : index
      %get3A_25 = vector.load %arg5[%get3A_23, %get3A_24] : memref<64x128xf32, #tpu.memory_space<vmem>>, vector<64x128xf32>
      %dot_general3A = arith.constant dense<0.000000e+00> : vector<2048x128xf32>
      %dot_general3A_26 = tpu.matmul %get3A_22, %get3A_25, %dot_general3A {dimension_numbers = #tpu.dot_dimension_numbers<[1], [0], [0], [1], [0, 0, 1, 1], [], []>, transpose_lhs_hint = false} : vector<2048x64xf32>, vector<64x128xf32>, vector<2048x128xf32> -> vector<2048x128xf32>
      %swap3A = arith.constant 0 : index
      %swap3A_27 = arith.constant 0 : index
      %swap3A_28 = vector.load %arg8[%swap3A, %swap3A_27] : memref<2048x128xf32, #tpu.memory_space<vmem>>, vector<2048x128xf32>
      tpu.vector_store %arg8[%swap3A, %swap3A_27], %dot_general3A_26 {strides = array<i32>} : memref<2048x128xf32, #tpu.memory_space<vmem>>, vector<2048x128xf32>,
    } else {
    }
    %ge3A_8 = arith.constant 10 : i32
    %ge3A_9 = arith.cmpi sge, %arg0, %ge3A_8 : i32
    %lt3A_10 = arith.constant 20 : i32
    %lt3A_11 = arith.cmpi slt, %arg0, %lt3A_10 : i32
    %and3A_12 = arith.andi %ge3A_9, %lt3A_11 : i1
    %convert_element_type3A_13 = arith.extui %and3A_12 : i1 to i32
    %cond3A_14 = arith.constant 0 : i32
    %cond3A_15 = arith.cmpi ne, %convert_element_type3A_13, %cond3A_14 : i32
    scf.if %cond3A_15 {
      %get3A = arith.constant 0 : index
      %get3A_21 = arith.constant 0 : index
      %get3A_22 = vector.load %arg3[%get3A, %get3A_21] : memref<2048x32xf32, #tpu.memory_space<vmem>>, vector<2048x32xf32>
      %get3A_23 = arith.constant 0 : index
      %get3A_24 = arith.constant 0 : index
      %get3A_25 = vector.load %arg6[%get3A_23, %get3A_24] : memref<32x128xf32, #tpu.memory_space<vmem>>, vector<32x128xf32>
      %dot_general3A = arith.constant dense<0.000000e+00> : vector<2048x128xf32>
      %dot_general3A_26 = tpu.matmul %get3A_22, %get3A_25, %dot_general3A {dimension_numbers = #tpu.dot_dimension_numbers<[1], [0], [0], [1], [0, 0, 1, 1], [], []>, transpose_lhs_hint = false} : vector<2048x32xf32>, vector<32x128xf32>, vector<2048x128xf32> -> vector<2048x128xf32>
      %swap3A = arith.constant 0 : index
      %swap3A_27 = arith.constant 0 : index
      %swap3A_28 = vector.load %arg8[%swap3A, %swap3A_27] : memref<2048x128xf32, #tpu.memory_space<vmem>>, vector<2048x128xf32>
      tpu.vector_store %arg8[%swap3A, %swap3A_27], %dot_general3A_26 {strides = array<i32>} : memref<2048x128xf32, #tpu.memory_space<vmem>>, vector<2048x128xf32>,
    } else {
    }
    %ge3A_16 = arith.constant 20 : i32
    %ge3A_17 = arith.cmpi sge, %arg0, %ge3A_16 : i32
    %convert_element_type3A_18 = arith.extui %ge3A_17 : i1 to i32
    %cond3A_19 = arith.constant 0 : i32
    %cond3A_20 = arith.cmpi ne, %convert_element_type3A_18, %cond3A_19 : i32
    scf.if %cond3A_20 {
      %get3A = arith.constant 0 : index
      %get3A_21 = arith.constant 0 : index
      %get3A_22 = vector.load %arg4[%get3A, %get3A_21] : memref<2048x16xf32, #tpu.memory_space<vmem>>, vector<2048x16xf32>
      %get3A_23 = arith.constant 0 : index
      %get3A_24 = arith.constant 0 : index
      %get3A_25 = vector.load %arg7[%get3A_23, %get3A_24] : memref<16x128xf32, #tpu.memory_space<vmem>>, vector<16x128xf32>
      %dot_general3A = arith.constant dense<0.000000e+00> : vector<2048x128xf32>
      %dot_general3A_26 = tpu.matmul %get3A_22, %get3A_25, %dot_general3A {dimension_numbers = #tpu.dot_dimension_numbers<[1], [0], [0], [1], [0, 0, 1, 1], [], []>, transpose_lhs_hint = false} : vector<2048x16xf32>, vector<16x128xf32>, vector<2048x128xf32> -> vector<2048x128xf32>
      %swap3A = arith.constant 0 : index
      %swap3A_27 = arith.constant 0 : index
      %swap3A_28 = vector.load %arg8[%swap3A, %swap3A_27] : memref<2048x128xf32, #tpu.memory_space<vmem>>, vector<2048x128xf32>
      tpu.vector_store %arg8[%swap3A, %swap3A_27], %dot_general3A_26 {strides = array<i32>} : memref<2048x128xf32, #tpu.memory_space<vmem>>, vector<2048x128xf32>,
    } else {
    }
    return
  }
  func.func @transform_0(%arg0: i32) -> (i32, i32) {
    %jit3A = arith.constant 0 : i32
    %jit3A_0 = arith.constant 4 : i32
    %max3A = arith.maxsi %jit3A, %arg0 : i32
    %min3A = arith.minsi %jit3A_0, %max3A : i32
    %c0_i32 = arith.constant 0 : i32
    %c0_i32_1 = arith.constant 0 : i32
    return %min3A, %c0_i32 : i32, i32
  }
  func.func @transform_1(%arg0: i32) -> (i32, i32) {
    %sub3A = arith.constant 5 : i32
    %sub3A_0 = arith.subi %arg0, %sub3A : i32
    %jit3A = arith.constant 0 : i32
    %jit3A_1 = arith.constant 4 : i32
    %max3A = arith.maxsi %jit3A, %sub3A_0 : i32
    %min3A = arith.minsi %jit3A_1, %max3A : i32
    %c0_i32 = arith.constant 0 : i32
    %c0_i32_2 = arith.constant 0 : i32
    return %min3A, %c0_i32 : i32, i32
  }
  func.func @transform_2(%arg0: i32) -> (i32, i32) {
    %sub3A = arith.constant 10 : i32
    %sub3A_0 = arith.subi %arg0, %sub3A : i32
    %jit3A = arith.constant 0 : i32
    %jit3A_1 = arith.constant 9 : i32
    %max3A = arith.maxsi %jit3A, %sub3A_0 : i32
    %min3A = arith.minsi %jit3A_1, %max3A : i32
    %c0_i32 = arith.constant 0 : i32
    %c0_i32_2 = arith.constant 0 : i32
    return %min3A, %c0_i32 : i32, i32
  }
  func.func @transform_3(%arg0: i32) -> (i32, i32) {
    %sub3A = arith.constant 20 : i32
    %sub3A_0 = arith.subi %arg0, %sub3A : i32
    %jit3A = arith.constant 0 : i32
    %jit3A_1 = arith.constant 29 : i32
    %max3A = arith.maxsi %jit3A, %sub3A_0 : i32
    %min3A = arith.minsi %jit3A_1, %max3A : i32
    %c0_i32 = arith.constant 0 : i32
    %c0_i32_2 = arith.constant 0 : i32
    return %min3A, %c0_i32 : i32, i32
  }
  func.func @transform_4(%arg0: i32) -> (i32, i32) {
    %c0_i32 = arith.constant 0 : i32
    %c0_i32_0 = arith.constant 0 : i32
    %c0_i32_1 = arith.constant 0 : i32
    return %c0_i32, %c0_i32_0 : i32, i32
  }
  func.func @transform_5(%arg0: i32) -> (i32, i32) {
    %c0_i32 = arith.constant 0 : i32
    %c0_i32_0 = arith.constant 0 : i32
    %c0_i32_1 = arith.constant 0 : i32
    return %c0_i32, %c0_i32_0 : i32, i32
  }
  func.func @transform_6(%arg0: i32) -> (i32, i32) {
    %c0_i32 = arith.constant 0 : i32
    %c0_i32_0 = arith.constant 0 : i32
    %c0_i32_1 = arith.constant 0 : i32
    return %c0_i32, %c0_i32_0 : i32, i32
  }
  func.func @transform_7(%arg0: i32) -> (i32, i32) {
    %c0_i32 = arith.constant 0 : i32
    %c0_i32_0 = arith.constant 0 : i32
    return %arg0, %c0_i32 : i32, i32
  }
}

</mosaic_0001>

<sc_bundles>
// kernel: kernel.4.cloned.1.call-start
scs
__scs_entry_jumppad:
0x0: {  	(pc) =	sbr.rel $0x88, $3  }
0x1: {  	(tag) =	ssettag $0x0;
	lr =	simm.s32 $0x1  }
0x2: {  	[smem:$0x3F99] =	sst lr;
	_ =	strace $0xD0000000  }
0x3: {  	_ = 	snop  }
0x4: {  	_ = 	snop  }
0x5: {  	_ = 	snop  }
0x6: {  	_ = 	snop  }
0x7: {  	_ = 	snop  }
__scs_overlays_trampoline_lowered:
0x8: {  	[smem:$0x3FA8] =	sst s0  }
0x9: {  	[smem:$0x3FA9] =	sst s1  }
0xa: {  	[smem:$0x3FAA] =	sst s2  }
0xb: {  	[smem:$0x3FAB] =	sst s3  }
0xc: {  	[smem:$0x3FAC] =	sst s4  }
0xd: {  	[smem:$0x3FAD] =	sst s5  }
0xe: {  	[smem:$0x3FAE] =	sst s6  }
0xf: {  	[smem:$0x3FAF] =	sst s7  }
0x10: {  	[smem:$0x3FB0] =	sst s8  }
0x11: {  	[smem:$0x3FB1] =	sst s9;
	s0 =	simm.s32 @!p0 $0x0  }
0x12: {  	s1 =	sld [smem:$0x3F97];
	s0 =	simm.s32 @p0 $0x1  }
0x13: {  	[smem:$0x3FB2] =	sst s0;
	s0 =	simm.s32 @!p1 $0x0  }
0x14: {  	s2 =	sld [smem:$0x3F96];
	s0 =	simm.s32 @p1 $0x1  }
0x15: {  	[smem:$0x3FB3] =	sst s0;
	s0 =	simm.s32 @!p2 $0x0  }
0x16: {  	s3 =	sld [smem:$0x3FDB];
	s0 =	simm.s32 @p2 $0x1  }
0x17: {  	s4 =	simm.s32 $0x1BF5;
	[smem:$0x3FB5] =	sst s0  }
0x18: {  	s0 =	sld [smem:$0x3F98];
	_ =	swait.ge [sflag:s4], $0x0  }
0x19: {  	s7 =	sld [smem:$0x3F99]  }
0x1a: {  	s8 =	sadd.s32 $0xFFFFE003, lr  }
0x1b: {  	s9 =	sadd.s32 $0xFFFFFEF7, lr;
	s5 =	simm.s32 $0xFFFFFFFF;
	p2 =	slt.u32 s8, $0xFFFFF086  }
0x1c: {  	p1 =	slt.u32 s9, $0xF7A;
	s5 =	simm.s32 @!p2 $0x0  }
0x1d: {  	s5 =	simm.s32 @p1 $0x1;
	p0 =	seq.s32 s7, s2  }
0x1e: {  	s7 =	smul.u32 @!p0 $0xF7A, s2;
	p2 =	seq.s32 @!p0 s5, $0x0  }
0x1f: {  	s9 =	smul.u32 $0xF7A, s1;
	s8 =	simm.s32 @!p0 $0x1BF5;
	p2 =	por !p2, p0  }
0x20: {  	[sflag:s8] =	ssyncset.s32 @!p0 $0xFFFFF086;
	s6 =	sadd.s32 @!p0 s3, s7;
	s7 =	simm.s32 @!p0 $0x108  }
0x21: {  	s3 =	sadd.s32 s3, s9;
	s6 =	sadd.s32 @!p0 $0x88, s6;
	s7 =	simm.s32 @p2 $0x1082  }
0x22: {  	[simem:s7], [sflag:s8] =	dma.local @!p0 [hbm:s6], $0xF7A  }
0x23: {  	s9 =	sor.u32 $0xD0000000, s2;
	s6 =	simm.s32 $0x108;
	_ =	swait.ge @!p0 [sflag:s8], $0x0  }
0x24: {  	s3 =	sadd.s32 $0x88, s3;
	s6 =	simm.s32 @!p1 $0x1082;
	[sflag:s4] =	ssyncset.s32 $0xFFFFF086  }
0x25: {  	[simem:s6], [sflag:s4] =	dma.local [hbm:s3], $0xF7A  }
0x26: {  	[smem:$0x3F99] =	sst s1;
	(tag) =	ssettag s2;
	_ =	strace s9  }
0x27: {  	s1 =	sld [smem:$0x3FA9]  }
0x28: {  	s2 =	sld [smem:$0x3FAA]  }
0x29: {  	s4 =	sld [smem:$0x3FAC]  }
0x2a: {  	p0 =	seq.s32 s5, $0x0;
	s5 =	sld [smem:$0x3FAD]  }
0x2b: {  	s6 =	sld [smem:$0x3FAE]  }
0x2c: {  	s7 =	sld [smem:$0x3FAF]  }
0x2d: {  	s3 =	simm.s32 $0x108;
	s8 =	sld [smem:$0x3FB0]  }
0x2e: {  	s3 =	simm.s32 @!p0 $0x1082;
	s9 =	sld [smem:$0x3FB1]  }
0x2f: {  	lr =	sadd.s32 s0, s3;
	s0 =	sld [smem:$0x3FA8]  }
0x30: {  	s3 =	sld [smem:$0x3FAB]  }
0x31: {  	[smem:$0x3FB4] =	sst s10  }
0x32: {  	s10 =	sld [smem:$0x3FB2];
	_ =	sdelay $0x3  }
0x33: {  	p0 =	seq.s32 s10, $0x1;
	s10 =	sld [smem:$0x3FB4];
	_ =	sdelay $0x3  }
0x34: {  	[smem:$0x3FB4] =	sst s10  }
0x35: {  	s10 =	sld [smem:$0x3FB3];
	_ =	sdelay $0x3  }
0x36: {  	p1 =	seq.s32 s10, $0x1;
	s10 =	sld [smem:$0x3FB4];
	_ =	sdelay $0x3  }
0x37: {  	[smem:$0x3FB4] =	sst s10  }
0x38: {  	s10 =	sld [smem:$0x3FB5]  }
0x39: {  	_ = 	snop;
	(pc) =	sbr.ind lr, $3  }
0x3a: {  	_ = 	snop  }
0x3b: {  	_ = 	snop  }
0x3c: {  	p2 =	seq.s32 s10, $0x1;
	s10 =	sld [smem:$0x3FB4]  }
0x3d: {  	_ =	shalt  }
0x3e: {  	_ =	shalt  }
0x3f: {  	_ =	shalt  }
0x40: {  	_ =	shalt  }
0x41: {  	_ =	shalt  }
0x42: {  	_ =	shalt  }
0x43: {  	_ =	shalt  }
0x44: {  	_ =	shalt  }
0x45: {  	_ =	shalt  }
0x46: {  	_ =	shalt  }
0x47: {  	_ =	shalt  }
0x48: {  	_ =	shalt  }
0x49: {  	_ =	shalt  }
0x4a: {  	_ =	shalt  }
0x4b: {  	_ =	shalt  }
0x4c: {  	_ =	shalt  }
0x4d: {  	_ =	shalt  }
0x4e: {  	_ =	shalt  }
0x4f: {  	_ =	shalt  }
0x50: {  	_ =	shalt  }
0x51: {  	_ =	shalt  }
0x52: {  	_ =	shalt  }
0x53: {  	_ =	shalt  }
0x54: {  	_ =	shalt  }
0x55: {  	_ =	shalt  }
0x56: {  	_ =	shalt  }
0x57: {  	_ =	shalt  }
0x58: {  	_ =	shalt  }
0x59: {  	_ =	shalt  }
0x5a: {  	_ =	shalt  }
0x5b: {  	_ =	shalt  }
0x5c: {  	_ =	shalt  }
0x5d: {  	_ =	shalt  }
0x5e: {  	_ =	shalt  }
0x5f: {  	_ =	shalt  }
0x60: {  	_ =	shalt  }
0x61: {  	_ =	shalt  }
0x62: {  	_ =	shalt  }
0x63: {  	_ =	shalt  }
0x64: {  	_ =	shalt  }
0x65: {  	_ =	shalt  }
0x66: {  	_ =	shalt  }
0x67: {  	_ =	shalt  }
0x68: {  	_ =	shalt  }
0x69: {  	_ =	shalt  }
0x6a: {  	_ =	shalt  }
0x6b: {  	_ =	shalt  }
0x6c: {  	_ =	shalt  }
0x6d: {  	_ =	shalt  }
0x6e: {  	_ =	shalt  }
0x6f: {  	_ =	shalt  }
0x70: {  	_ =	shalt  }
0x71: {  	_ =	shalt  }
0x72: {  	_ =	shalt  }
0x73: {  	_ =	shalt  }
0x74: {  	_ =	shalt  }
0x75: {  	_ =	shalt  }
0x76: {  	_ =	shalt  }
0x77: {  	_ =	shalt  }
0x78: {  	_ =	shalt  }
0x79: {  	_ =	shalt  }
0x7a: {  	_ =	shalt  }
0x7b: {  	_ =	shalt  }
0x7c: {  	_ =	shalt  }
0x7d: {  	_ =	shalt  }
0x7e: {  	_ =	shalt  }
0x7f: {  	_ =	shalt  }
0x80: {  	_ =	shalt  }
0x81: {  	_ =	shalt  }
0x82: {  	_ =	shalt  }
0x83: {  	_ =	shalt  }
0x84: {  	_ =	shalt  }
0x85: {  	_ =	shalt  }
0x86: {  	_ =	shalt  }
0x87: {  	_ =	shalt  }
.Lfunc_end0:
.L_simem_size_0:
called_computation_lowered:
.L_overlay_start_0:
0x88: {  	s2 =	sld [smem:$0x3FD9]  }
0x89: {  	s3 =	sld [smem:$0x3FFE];
	_ =	sdelay $0x1  }
0x8a: {  	s1 =	srdreg.scid  }
0x8b: {  	s0 =	sand.u32 $0x1, s1  }
0x8c: {  	s17 =	sshll.u32 s0, $0xA;
	s2 =	sadd.s32 s3, s2  }
0x8d: {  	s2 =	sadd.s32 s2, s17  }
0x8e: {  	[smem:$0x3FC0] =	sst s2  }
0x8f: {  	_ = 	snop  }
0x90: {  	s2 =	sld [smem:$0x3FD0];
	(tm) =	ssettm $0x1  }
0x91: {  	s18 =	sld [smem:$0x3FFB];
	_ =	sdelay $0x3  }
0x92: {  	_ =	strace s18  }
0x93: {  	s3 =	sld [smem:$0x3FFC];
	_ =	sdelay $0x3  }
0x94: {  	_ =	strace s3  }
0x95: {  	s3 =	sld [smem:$0x3FFD];
	_ =	sdelay $0x3  }
0x96: {  	_ =	strace s3  }
0x97: {  	_ =	strace $0x8FFFFFFF  }
0x98: {  	s19 =	sld [smem:$0x3FDB];
	_ =	sdelay $0x1  }
0x99: {  	s4 =	simm.s32 $_scs_section_size  }
0x9a: {  	s5 =	simm.s32 $_size__tile_overlayer_lowered;
	s6 =	simm.s32 $_tile_overlayer_lowered  }
0x9b: {  	s22 =	simm.s32 $0x1BFF;
	s21 =	sshll.u32 s6, $0x1;
	s3 =	sadd.s32 s4, s19  }
0x9c: {  	s7 =	simm.s32 $0x0;
	s20 =	sshll.u32 s5, $0x1;
	s5 =	sadd.s32 s21, s3  }
0x9d: {  	[timem:s7], [sflag:s22] =	dma.local [hbm:s5], s20  }
0x9e: {  	_ =	swait.ge [sflag:s22], s20  }
0x9f: {  	s4 =	ssub.s32 $0x0, s20;
	[sflag:s22] =	ssyncset.done $0x0  }
0xa0: {  	[sflag:s22] =	ssyncadd.s32 s4;
	_ =	sdelay $0x1  }
0xa1: {  	s23 =	simm.s32 $0x1B8B  }
0xa2: {  	_ =	swait.ge [sflag:s23], $0x1  }
0xa3: {  	[sflag:s23] =	ssyncset.done $0x0  }
0xa4: {  	s25 =	simm.s32 $0x1B8E;
	s24 =	sld [smem:$0x3FFE];
	[sflag:s23] =	ssyncadd.s32 $0xFFFFFFFF  }
0xa5: {  	s26 =	simm.s32 $execute0_lowered;
	[smem:$0x3FD2] =	sst s25  }
0xa6: {  	s5 =	sshll.u32 s26, $0x1;
	_ =	strace $0x80000046;
	[dreg:$0x1] =	wrdreg $0xFFFFFFFF  }
0xa7: {  	s28 =	simm.s32 $_size_execute0_lowered;
	s3 =	sadd.s32 s3, s5;
	[dreg:$0x0] =	wrdreg $0x0  }
0xa8: {  	s5 =	sshll.u32 s28, $0x1;
	[dreg:$0x2] =	wrdreg s3  }
0xa9: {  	[dreg:$0x3] =	wrdreg s5  }
0xaa: {  	[dreg:$0x4] =	wrdreg $0xC0  }
0xab: {  	_ =	task [dreg:s7], $0x5FFFF  }
0xac: {  	[dreg:$0x1] =	wrdreg $0xFFFFFFFF  }
0xad: {  	[dreg:$0x0] =	wrdreg $0x60  }
0xae: {  	[dreg:$0x2] =	wrdreg s24  }
0xaf: {  	[dreg:$0x3] =	wrdreg s2  }
0xb0: {  	[dreg:$0x4] =	wrdreg $0x9  }
0xb1: {  	_ =	task.clear_ibuf [dreg:s7], $0x5FFFF;
	_ =	strace $0x90000046  }
0xb2: {  	s29 =	simm.s32 $0x9;
	_ =	strace $0x80000048  }
0xb3: {  	_ =	swait.ge [sflag:s29], $0x1  }
0xb4: {  	[sflag:s29] =	ssyncadd.s32 $0xFFFFFFFF  }
0xb5: {  	_ =	strace $0x90000048  }
0xb6: {  	_ =	sfence  }
0xb7: {  	s30 =	sld [smem:$0x0];
	_ =	sdelay $0x2  }
0xb8: {  	s31 =	sshll.u32 s1, $0xD;
	s1 =	sshrl.u32 s1, $0x2  }
0xb9: {  	s3 =	sand.u32 $0x4000, s31;
	s1 =	sadd.s32 s1, s30  }
0xba: {  	s0 =	sor.u32 s3, s0;
	s1 =	sshll.u32 s1, $0x11  }
0xbb: {  	s0 =	sor.u32 s1, s0  }
0xbc: {  	s0 =	sadd.s32 $0x8F2B, s0  }
0xbd: {  	[sflag:s0] =	ssyncadd.remote.s32 $0x1  }
0xbe: {  	_ =	sfence.sel $0xFFFF  }
0xbf: {  	[dreg:$0x0] =	wrdreg $0xFFFFFFFF;
	(pc) =	sbr.abs _section_cstart, $3  }
0xc0: {  	[dreg:$0x1] =	wrdreg $0xFFFFFFFF  }
0xc1: {  	_ =	task.clear_ibuf [dreg:s7], $0x2FFFF;
	_ =	strace $0x9FFFFFFF  }
0xc2: {  	(tm) =	ssettm $0x7FFFFFFF  }
0xc3: {  	_ =	shalt  }
tec
execute0_lowered:
.L_overlay_start_1:
0x0: {  	(tag) =	ssettag $0x1  }
0x1: {  	s4 =	rddreg [dreg:$0x0]  }
0x2: {  	s1 =	rddreg [dreg:$0x1]  }
0x3: {  	s0 =	rddreg [dreg:$0x2];
	s3 =	simm.s32 $0x0  }
0x4: {  	s5 =	srdreg.scid;
	s2 =	stileid.u32;
	s11 =	simm.s32 $0x4080  }
0x5: {  	s12 =	simm.s32 $0x9C00;
	s13 =	simm.s32 $0x4100;
	s14 =	simm.s32 $0xB800  }
0x6: {  	s15 =	simm.s32 $0x4180;
	s16 =	simm.s32 $0xD400;
	s17 =	simm.s32 $0xF000  }
0x7: {  	s18 =	simm.s32 $0x10C00;
	s19 =	simm.s32 $0x12800;
	s20 =	simm.s32 $0x14400  }
0x8: {  	s21 =	simm.s32 $0x1;
	s22 =	simm.s32 $0x2;
	s23 =	simm.s32 $0x0  }
0x9: {  	[smem:$0x7FF] =	sst s3;
	s5 =	sand.u32 $0x1, s5;
	s6 =	sshll.u32 s2, $0xC  }
0xa: {  	s8 =	smul.u32 $0x38000, s2;
	_ =	strace $0x80000047;
	s7 =	sshll.u32 s5, $0xB  }
0xb: {  	s9 =	ssub.s32 $0x2, s5;
	s10 =	smul.u32 $0x1C000, s5;
	s6 =	sor.u32 s7, s6  }
0xc: {  	s29 =	sshrl.u32 s9, $0x1;
	s31 =	sadd.s32 s8, s4;
	s8 =	simm.s32 $0x32  }
0xd: {  	s30 =	sadd.s32 s6, s4;
	s7 =	ssub.s32 s9, s29;
	s6 =	sadd.s32 s10, s31  }
0xe: {  	s9 =	simm.s32 $0x4000;
	s10 =	simm.s32 $0x8000;
	s4 =	sadd.s32 $0x1600, s30  }
0xf: {  	v0 =	vimm.s32 $0x0;
	s5 =	smax.u32 s7, $0x1;
	s6 =	sadd.s32 $0x11600, s6;
	s7 =	simm.s32 $0x3  }
.LBB2_1:
0x10: {  	[tilespmem:s3], [sflag:$0x3] =	stream.linear.gather [hbm4b:s4+s3], $0x4000, $0x38;
	[tilespmem:$0x16000] =	vst v63  }
0x11: {  	_ =	swait.ge [sflag:s7], $0x4000  }
0x12: {  	[sflag:s7] =	ssyncset.done $0x0  }
0x13: {  	s24 =	simm.s32 $0x0;
	[sflag:s7] =	ssyncadd.s32 $0xFFFFC000  }
0x14: {  	v3 =	vld [tilespmem:s24+$0x20]  }
0x15: {  	v4 =	vld [tilespmem:s24+$0x22];
	_ =	sdelay $0x4  }
0x16: {  	vm0 =	vgt.s32 v3, $0x9C40;
	vm1 =	veq.s32 v3, $0x0;
	vm2 =	vgt.s32 v4, $0x9C40  }
0x17: {  	v1 =	vld [tilespmem:s24+$0x0];
	vm3 =	vgt.s32 v3, $0x2710;
	vm4 =	vgt.s32 v3, $0x4E20;
	vm5 =	vgt.s32 v4, $0x2710  }
0x18: {  	v2 =	vld [tilespmem:s24+$0x10];
	v5 =	vsel vm4, $0xF0, v0;
	v6 =	vsel vm0, $0x1E0, v0;
	vm0 =	vgt.s32 v4, $0x4E20  }
0x19: {  	v7 =	vsel vm3, $0xF0, v0;
	v3 =	vadd.s32 v3, v5;
	v5 =	vsel vm0, $0xF0, v0  }
0x1a: {  	v3 =	vadd.s32 v7, v3;
	v7 =	vsel vm5, $0xF0, v0;
	v5 =	vadd.s32 v4, v5  }
0x1b: {  	v3 =	vadd.s32 v6, v3;
	v6 =	vsel vm2, $0x1E0, v0;
	v5 =	vadd.s32 v7, v5  }
0x1c: {  	vm0 =	veq.s32 v4, $0x0;
	v3 =	vsel vm1, $0x2710, v3;
	v4 =	vadd.s32 v6, v5  }
0x1d: {  	vm2 =	vgt.s32 v2, $0x4E20;
	vm1 =	vgt.s32 v1, $0x4E20;
	[tilespmem:s24+$0x4020] =	vst v3;
	v3 =	vsel vm0, $0x2710, v4  }
0x1e: {  	s25 =	simm.s32 $0x80;
	v6 =	vsel vm2, $0xF0, v0;
	vm0 =	vgt.s32 v1, $0x2710;
	v4 =	vsel vm1, $0xF0, v0;
	[tilespmem:s24+$0x4022] =	vst v3  }
0x1f: {  	vm1 =	vgt.s32 v2, $0x2710;
	v8 =	vadd.s32 v2, v6;
	v7 =	vadd.s32 v1, v4;
	v5 =	vld [tilespmem:s25+$0x20]  }
0x20: {  	v6 =	vsel vm0, $0xF0, v0;
	vm0 =	vgt.s32 v1, $0x9C40;
	v9 =	vsel vm1, $0xF0, v0;
	v3 =	vld [tilespmem:s25+$0x22]  }
0x21: {  	s26 =	simm.s32 $0x400;
	vm1 =	vgt.s32 v2, $0x9C40;
	v4 =	vld [tilespmem:s25+$0x0];
	v6 =	vadd.s32 v6, v7;
	v7 =	vadd.s32 v9, v8  }
.LBB2_2:
0x22: {  	p0 =	sne.s32 s26, $0xFE00;
	v8 =	vld [tilespmem:s25+$0x10];
	v9 =	vsel vm0, $0x1E0, v0;
	vm0 =	veq.s32 v1, $0x0;
	v1 =	vsel vm1, $0x1E0, v0  }
0x23: {  	vm1 =	veq.s32 v2, $0x0;
	v6 =	vadd.s32 v9, v6;
	v1 =	vadd.s32 v1, v7  }
0x24: {  	v2 =	vsel vm0, $0x2710, v6;
	v6 =	vsel vm1, $0x2710, v1  }
0x25: {  	vm0 =	vgt.s32 v5, $0x9C40;
	vm1 =	veq.s32 v5, $0x0;
	vm2 =	vgt.s32 v3, $0x9C40;
	[tilespmem:s24+$0x4000] =	vst v2  }
0x26: {  	vm3 =	vgt.s32 v5, $0x2710;
	vm4 =	vgt.s32 v5, $0x4E20;
	vm5 =	vgt.s32 v3, $0x2710;
	[tilespmem:s24+$0x4010] =	vst v6;
	v1 =	vmovc v4;
	s24 =	smov.u32 s25  }
0x27: {  	v4 =	vsel vm4, $0xF0, v0;
	v6 =	vsel vm0, $0x1E0, v0;
	vm0 =	vgt.s32 v3, $0x4E20;
	v2 =	vmovc v8  }
0x28: {  	v7 =	vsel vm3, $0xF0, v0;
	v4 =	vadd.s32 v5, v4;
	v5 =	vsel vm0, $0xF0, v0  }
0x29: {  	v4 =	vadd.s32 v7, v4;
	v7 =	vsel vm5, $0xF0, v0;
	v5 =	vadd.s32 v3, v5  }
0x2a: {  	v4 =	vadd.s32 v6, v4;
	v6 =	vsel vm2, $0x1E0, v0;
	v5 =	vadd.s32 v7, v5  }
0x2b: {  	vm0 =	veq.s32 v3, $0x0;
	v4 =	vsel vm1, $0x2710, v4;
	v3 =	vadd.s32 v6, v5  }
.Ltmp0:
0x2c: {  	vm2 =	vgt.s32 v2, $0x4E20;
	vm1 =	vgt.s32 v1, $0x4E20;
	v3 =	vsel vm0, $0x2710, v3;
	[tilespmem:s24+$0x4020] =	vst v4;
	(pc) =	sbr.rel @p0 .LBB2_2-.Ltmp0, $4  }
0x2d: {  	s25 =	sshra.s32 s26, $0x2;
	v6 =	vsel vm2, $0xF0, v0;
	vm0 =	vgt.s32 v1, $0x2710;
	v4 =	vsel vm1, $0xF0, v0;
	[tilespmem:s24+$0x4022] =	vst v3  }
0x2e: {  	v8 =	vadd.s32 v2, v6;
	vm1 =	vgt.s32 v2, $0x2710;
	v7 =	vadd.s32 v1, v4;
	v5 =	vld [tilespmem:s25+$0x20]  }
0x2f: {  	v6 =	vsel vm0, $0xF0, v0;
	vm0 =	vgt.s32 v1, $0x9C40;
	v9 =	vsel vm1, $0xF0, v0;
	v3 =	vld [tilespmem:s25+$0x22]  }
0x30: {  	s26 =	sadd.s32 $0x200, s26;
	vm1 =	vgt.s32 v2, $0x9C40;
	v6 =	vadd.s32 v6, v7;
	v7 =	vadd.s32 v9, v8;
	v4 =	vld [tilespmem:s25+$0x0]  }
0x31: {  	v8 =	vsel vm0, $0x1E0, v0;
	vm10 =	veq.s32 v1, $0x0;
	v1 =	vsel vm1, $0x1E0, v0  }
0x32: {  	vm11 =	veq.s32 v2, $0x0;
	v6 =	vadd.s32 v8, v6;
	v1 =	vadd.s32 v1, v7  }
0x33: {  	v2 =	vsel vm10, $0x2710, v6;
	v1 =	vsel vm11, $0x2710, v1;
	vm12 =	vgt.s32 v5, $0x4E20  }
0x34: {  	vm13 =	vgt.s32 v5, $0x9C40;
	vm2 =	vgt.s32 v5, $0x2710;
	vm14 =	veq.s32 v5, $0x0  }
0x35: {  	v56 =	vld [tilespmem:s25+$0x10];
	v53 =	vsel vm12, $0xF0, v0;
	v54 =	vsel vm2, $0xF0, v0;
	vm15 =	vgt.s32 v3, $0x9C40  }
0x36: {  	vm3 =	vgt.s32 v3, $0x4E20;
	vm4 =	vgt.s32 v3, $0x2710;
	v57 =	vsel vm13, $0x1E0, v0  }
0x37: {  	vm7 =	veq.s32 v3, $0x0;
	v55 =	vadd.s32 v5, v53;
	v58 =	vsel vm3, $0xF0, v0  }
0x38: {  	v9 =	vsel vm4, $0xF0, v0;
	v59 =	vsel vm15, $0x1E0, v0;
	vm8 =	vgt.s32 v4, $0x4E20  }
0x39: {  	vm10 =	vgt.s32 v4, $0x2710;
	vm12 =	vgt.s32 v4, $0x9C40;
	v5 =	vadd.s32 v54, v55  }
0x3a: {  	v8 =	vadd.s32 v3, v58;
	vm9 =	vgt.s32 v56, $0x4E20;
	v60 =	vsel vm8, $0xF0, v0  }
0x3b: {  	vm11 =	vgt.s32 v56, $0x2710;
	v62 =	vsel vm10, $0xF0, v0;
	vm13 =	vgt.s32 v56, $0x9C40  }
0x3c: {  	v5 =	vadd.s32 v57, v5;
	v8 =	vadd.s32 v9, v8;
	v61 =	vsel vm9, $0xF0, v0  }
0x3d: {  	[tilespmem:s24+$0x4000] =	vst v2;
	v7 =	vadd.s32 v4, v60;
	v2 =	vsel vm11, $0xF0, v0;
	v63 =	vsel vm13, $0x1E0, v0  }
0x3e: {  	v5 =	vsel vm14, $0x2710, v5;
	v3 =	vadd.s32 v59, v8;
	v8 =	vadd.s32 v56, v61  }
0x3f: {  	[tilespmem:s24+$0x4010] =	vst v1;
	v7 =	vadd.s32 v62, v7;
	v1 =	vadd.s32 v2, v8;
	v2 =	vsel vm12, $0x1E0, v0  }
0x40: {  	vm14 =	veq.s32 v4, $0x0;
	v3 =	vsel vm7, $0x2710, v3;
	[tilespmem:s25+$0x4020] =	vst v5;
	v2 =	vadd.s32 v2, v7  }
0x41: {  	vm15 =	veq.s32 v56, $0x0;
	[tilespmem:s25+$0x4022] =	vst v3;
	v1 =	vadd.s32 v63, v1;
	v2 =	vsel vm14, $0x2710, v2  }
0x42: {  	v1 =	vsel vm15, $0x2710, v1;
	[tilespmem:s25+$0x4000] =	vst v2  }
0x43: {  	[tilespmem:s25+$0x4010] =	vst v1  }
0x44: {  	[tilespmem:s10], [sflag:$0x1] =	stream.indirect.gather [hbm4b:s1+s8], $0x80, s9, s8, $0xb8;
	[tilespmem:$0x16000] =	vst v63  }
0x45: {  	_ = 	snop  }
0x46: {  	[tilespmem:s12], [sflag:$0x1] =	stream.indirect.gather [hbm4b:s1+s8], $0x80, s11, s8, $0xb8;
	[tilespmem:$0x16000] =	vst v63  }
0x47: {  	_ = 	snop  }
0x48: {  	[tilespmem:s14], [sflag:$0x1] =	stream.indirect.gather [hbm4b:s1+s8], $0x80, s13, s8, $0xb8;
	[tilespmem:$0x16000] =	vst v63  }
0x49: {  	_ = 	snop  }
0x4a: {  	[tilespmem:s16], [sflag:$0x1] =	stream.indirect.gather [hbm4b:s1+s8], $0x80, s15, s8, $0xb8;
	[tilespmem:$0x16000] =	vst v63  }
0x4b: {  	s25 =	simm.s32 $0x4200  }
0x4c: {  	[tilespmem:s17], [sflag:$0x2] =	stream.indirect.gather [hbm4b:s1+s8], $0x80, s25, s8, $0xb8;
	[tilespmem:$0x16000] =	vst v63  }
0x4d: {  	s26 =	simm.s32 $0x4280  }
0x4e: {  	[tilespmem:s18], [sflag:$0x2] =	stream.indirect.gather [hbm4b:s1+s8], $0x80, s26, s8, $0xb8;
	[tilespmem:$0x16000] =	vst v63  }
0x4f: {  	s28 =	simm.s32 $0x4300  }
0x50: {  	[tilespmem:s19], [sflag:$0x2] =	stream.indirect.gather [hbm4b:s1+s8], $0x80, s28, s8, $0xb8;
	[tilespmem:$0x16000] =	vst v63  }
0x51: {  	s30 =	simm.s32 $0x4380  }
0x52: {  	[tilespmem:s20], [sflag:$0x2] =	stream.indirect.gather [hbm4b:s1+s8], $0x80, s30, s8, $0xb8;
	[tilespmem:$0x16000] =	vst v63  }
0x53: {  	_ =	swait.ge [sflag:s21], $0x1900  }
0x54: {  	[sflag:s21] =	ssyncset.done $0x0  }
0x55: {  	[sflag:s21] =	ssyncadd.s32 $0xFFFFE700  }
0x56: {  	_ =	swait.ge [sflag:s21], $0x1900  }
0x57: {  	[sflag:s21] =	ssyncset.done $0x0  }
0x58: {  	[sflag:s21] =	ssyncadd.s32 $0xFFFFE700  }
0x59: {  	_ =	swait.ge [sflag:s21], $0x1900  }
0x5a: {  	[sflag:s21] =	ssyncset.done $0x0  }
0x5b: {  	[sflag:s21] =	ssyncadd.s32 $0xFFFFE700  }
0x5c: {  	_ =	swait.ge [sflag:s21], $0x1900  }
0x5d: {  	[sflag:s21] =	ssyncset.done $0x0  }
0x5e: {  	[sflag:s21] =	ssyncadd.s32 $0xFFFFE700  }
0x5f: {  	[hbm4b:s6+s3] =	stream.linear.scatter [tilespmem:s10], [sflag:$0x3], $0x1900, $0x38;
	[tilespmem:$0x16000] =	vst v63  }
0x60: {  	s31 =	sadd.s32 $0x380, s6  }
0x61: {  	[hbm4b:s31+s3] =	stream.linear.scatter [tilespmem:s12], [sflag:$0x3], $0x1900, $0x38;
	[tilespmem:$0x16000] =	vst v63  }
0x62: {  	p0 =	por $0x1, $0x1;
	s24 =	simm.s32 $0x0;
	s25 =	sadd.s32 $0x700, s6  }
0x63: {  	[hbm4b:s25+s3] =	stream.linear.scatter [tilespmem:s14], [sflag:$0x3], $0x1900, $0x38;
	[tilespmem:$0x16000] =	vst v63  }
0x64: {  	s24 =	simm.s32 @!p0 $0x1D;
	s26 =	sadd.s32 $0xA80, s6  }
0x65: {  	[hbm4b:s26+s3] =	stream.linear.scatter [tilespmem:s16], [sflag:$0x3], $0x1900, $0x38;
	[tilespmem:$0x16000] =	vst v63  }
0x66: {  	s24 =	sshll.u32 s24, $0x9;
	_ =	swait.ge [sflag:s7], $0x6400  }
0x67: {  	s24 =	sand.u32 $0x3FFFFE00, s24;
	[sflag:s7] =	ssyncset.done $0x0  }
0x68: {  	s28 =	sadd.s32 $0x4400, s24;
	[sflag:s7] =	ssyncadd.s32 $0xFFFF9C00  }
0x69: {  	[tilespmem:s10], [sflag:$0x1] =	stream.indirect.gather [hbm4b:s1+s8], $0x80, s28, s8, $0xb8;
	[tilespmem:$0x16000] =	vst v63  }
0x6a: {  	s30 =	sadd.s32 $0x4480, s24  }
0x6b: {  	[tilespmem:s12], [sflag:$0x1] =	stream.indirect.gather [hbm4b:s1+s8], $0x80, s30, s8, $0xb8;
	[tilespmem:$0x16000] =	vst v63  }
0x6c: {  	s31 =	sadd.s32 $0x4500, s24  }
0x6d: {  	[tilespmem:s14], [sflag:$0x1] =	stream.indirect.gather [hbm4b:s1+s8], $0x80, s31, s8, $0xb8;
	[tilespmem:$0x16000] =	vst v63  }
0x6e: {  	s24 =	sadd.s32 $0x4580, s24  }
0x6f: {  	[tilespmem:s16], [sflag:$0x1] =	stream.indirect.gather [hbm4b:s1+s8], $0x80, s24, s8, $0xb8;
	[tilespmem:$0x16000] =	vst v63  }
0x70: {  	_ =	swait.ge [sflag:s22], $0x1900  }
0x71: {  	[sflag:s22] =	ssyncset.done $0x0  }
0x72: {  	[sflag:s22] =	ssyncadd.s32 $0xFFFFE700  }
0x73: {  	_ =	swait.ge [sflag:s22], $0x1900  }
0x74: {  	[sflag:s22] =	ssyncset.done $0x0  }
0x75: {  	[sflag:s22] =	ssyncadd.s32 $0xFFFFE700  }
0x76: {  	_ =	swait.ge [sflag:s22], $0x1900  }
0x77: {  	[sflag:s22] =	ssyncset.done $0x0  }
0x78: {  	[sflag:s22] =	ssyncadd.s32 $0xFFFFE700  }
0x79: {  	_ =	swait.ge [sflag:s22], $0x1900  }
0x7a: {  	[sflag:s22] =	ssyncset.done $0x0  }
0x7b: {  	s26 =	sadd.s32 $0xE00, s6;
	[sflag:s22] =	ssyncadd.s32 $0xFFFFE700  }
0x7c: {  	[hbm4b:s26+s3] =	stream.linear.scatter [tilespmem:s17], [sflag:$0x3], $0x1900, $0x38;
	[tilespmem:$0x16000] =	vst v63  }
0x7d: {  	s28 =	sadd.s32 $0x1180, s6  }
0x7e: {  	[hbm4b:s28+s3] =	stream.linear.scatter [tilespmem:s18], [sflag:$0x3], $0x1900, $0x38;
	[tilespmem:$0x16000] =	vst v63  }
0x7f: {  	s30 =	sadd.s32 $0x1500, s6  }
0x80: {  	[hbm4b:s30+s3] =	stream.linear.scatter [tilespmem:s19], [sflag:$0x3], $0x1900, $0x38;
	[tilespmem:$0x16000] =	vst v63  }
0x81: {  	s29 =	simm.s32 $0x2000;
	s25 =	simm.s32 $0x2;
	s31 =	sadd.s32 $0x1880, s6  }
0x82: {  	[hbm4b:s31+s3] =	stream.linear.scatter [tilespmem:s20], [sflag:$0x3], $0x1900, $0x38;
	[tilespmem:$0x16000] =	vst v63  }
0x83: {  	s24 =	sadd.s32 $0x1C00, s6;
	s26 =	simm.s32 $0x1000;
	_ =	swait.ge [sflag:s7], $0x6400  }
.LBB2_4:
0x84: {  	s30 =	sshra.s32 s26, $0x2  }
0x85: {  	[sflag:s7] =	ssyncset.done $0x0;
	s26 =	smov.u32 s29;
	s28 =	sadd.s32 $0x1000, s29  }
0x86: {  	p0 =	sne.s32 s29, $0xF000;
	s29 =	sadd.s32 $0x4200, s30;
	[sflag:s7] =	ssyncadd.s32 $0xFFFF9C00  }
0x87: {  	[tilespmem:s17], [sflag:$0x2] =	stream.indirect.gather [hbm4b:s1+s8], $0x80, s29, s8, $0xb8;
	[tilespmem:$0x16000] =	vst v63  }
0x88: {  	s29 =	sadd.s32 $0x4280, s30  }
0x89: {  	[tilespmem:s18], [sflag:$0x2] =	stream.indirect.gather [hbm4b:s1+s8], $0x80, s29, s8, $0xb8;
	[tilespmem:$0x16000] =	vst v63  }
0x8a: {  	s29 =	sadd.s32 $0x4300, s30  }
0x8b: {  	[tilespmem:s19], [sflag:$0x2] =	stream.indirect.gather [hbm4b:s1+s8], $0x80, s29, s8, $0xb8;
	[tilespmem:$0x16000] =	vst v63  }
0x8c: {  	s29 =	sadd.s32 $0x4380, s30  }
0x8d: {  	[tilespmem:s20], [sflag:$0x2] =	stream.indirect.gather [hbm4b:s1+s8], $0x80, s29, s8, $0xb8;
	[tilespmem:$0x16000] =	vst v63  }
0x8e: {  	_ =	swait.ge [sflag:s21], $0x1900  }
0x8f: {  	[sflag:s21] =	ssyncset.done $0x0  }
0x90: {  	[sflag:s21] =	ssyncadd.s32 $0xFFFFE700  }
0x91: {  	_ =	swait.ge [sflag:s21], $0x1900  }
0x92: {  	[sflag:s21] =	ssyncset.done $0x0  }
0x93: {  	[sflag:s21] =	ssyncadd.s32 $0xFFFFE700  }
0x94: {  	_ =	swait.ge [sflag:s21], $0x1900  }
0x95: {  	[sflag:s21] =	ssyncset.done $0x0  }
0x96: {  	[sflag:s21] =	ssyncadd.s32 $0xFFFFE700  }
0x97: {  	_ =	swait.ge [sflag:s21], $0x1900  }
0x98: {  	[sflag:s21] =	ssyncset.done $0x0  }
0x99: {  	[sflag:s21] =	ssyncadd.s32 $0xFFFFE700  }
0x9a: {  	[hbm4b:s24+s3] =	stream.linear.scatter [tilespmem:s10], [sflag:$0x3], $0x1900, $0x38;
	[tilespmem:$0x16000] =	vst v63  }
0x9b: {  	s29 =	sadd.s32 $0x380, s24  }
0x9c: {  	[hbm4b:s29+s3] =	stream.linear.scatter [tilespmem:s12], [sflag:$0x3], $0x1900, $0x38;
	[tilespmem:$0x16000] =	vst v63  }
0x9d: {  	s29 =	sadd.s32 $0x700, s24  }
0x9e: {  	[hbm4b:s29+s3] =	stream.linear.scatter [tilespmem:s14], [sflag:$0x3], $0x1900, $0x38;
	[tilespmem:$0x16000] =	vst v63  }
0x9f: {  	p1 =	slt.s32 s25, $0x1D;
	s29 =	sadd.s32 $0xA80, s24  }
0xa0: {  	[hbm4b:s29+s3] =	stream.linear.scatter [tilespmem:s16], [sflag:$0x3], $0x1900, $0x38;
	[tilespmem:$0x16000] =	vst v63  }
0xa1: {  	s29 =	smov.u32 s25  }
0xa2: {  	_ =	swait.ge [sflag:s7], $0x6400;
	s29 =	simm.s32 @!p1 $0x1D  }
0xa3: {  	[sflag:s7] =	ssyncset.done $0x0;
	s29 =	sshll.u32 s29, $0x9  }
0xa4: {  	[sflag:s7] =	ssyncadd.s32 $0xFFFF9C00;
	s29 =	sand.u32 $0x3FFFFE00, s29  }
0xa5: {  	s30 =	sadd.s32 $0x4400, s29;
	s31 =	sadd.s32 $0x4480, s29  }
0xa6: {  	[tilespmem:s10], [sflag:$0x1] =	stream.indirect.gather [hbm4b:s1+s8], $0x80, s30, s8, $0xb8;
	[tilespmem:$0x16000] =	vst v63  }
0xa7: {  	s30 =	sadd.s32 $0x4500, s29  }
0xa8: {  	[tilespmem:s12], [sflag:$0x1] =	stream.indirect.gather [hbm4b:s1+s8], $0x80, s31, s8, $0xb8;
	[tilespmem:$0x16000] =	vst v63  }
0xa9: {  	s29 =	sadd.s32 $0x4580, s29  }
0xaa: {  	[tilespmem:s14], [sflag:$0x1] =	stream.indirect.gather [hbm4b:s1+s8], $0x80, s30, s8, $0xb8;
	[tilespmem:$0x16000] =	vst v63  }
0xab: {  	_ = 	snop  }
0xac: {  	[tilespmem:s16], [sflag:$0x1] =	stream.indirect.gather [hbm4b:s1+s8], $0x80, s29, s8, $0xb8;
	[tilespmem:$0x16000] =	vst v63  }
0xad: {  	_ =	swait.ge [sflag:s22], $0x1900  }
0xae: {  	[sflag:s22] =	ssyncset.done $0x0  }
0xaf: {  	[sflag:s22] =	ssyncadd.s32 $0xFFFFE700  }
0xb0: {  	_ =	swait.ge [sflag:s22], $0x1900  }
0xb1: {  	[sflag:s22] =	ssyncset.done $0x0  }
0xb2: {  	[sflag:s22] =	ssyncadd.s32 $0xFFFFE700  }
0xb3: {  	_ =	swait.ge [sflag:s22], $0x1900  }
0xb4: {  	[sflag:s22] =	ssyncset.done $0x0  }
0xb5: {  	[sflag:s22] =	ssyncadd.s32 $0xFFFFE700  }
0xb6: {  	_ =	swait.ge [sflag:s22], $0x1900  }
0xb7: {  	s29 =	sadd.s32 $0xE00, s24;
	[sflag:s22] =	ssyncset.done $0x0  }
0xb8: {  	s30 =	sadd.s32 $0x1180, s24;
	[sflag:s22] =	ssyncadd.s32 $0xFFFFE700  }
0xb9: {  	[hbm4b:s29+s3] =	stream.linear.scatter [tilespmem:s17], [sflag:$0x3], $0x1900, $0x38;
	[tilespmem:$0x16000] =	vst v63  }
0xba: {  	s29 =	sadd.s32 $0x1500, s24  }
0xbb: {  	[hbm4b:s30+s3] =	stream.linear.scatter [tilespmem:s18], [sflag:$0x3], $0x1900, $0x38;
	[tilespmem:$0x16000] =	vst v63  }
.Ltmp1:
0xbc: {  	s30 =	sadd.s32 $0x1880, s24;
	(pc) =	sbr.rel @p0 .LBB2_4-.Ltmp1, $4  }
0xbd: {  	[hbm4b:s29+s3] =	stream.linear.scatter [tilespmem:s19], [sflag:$0x3], $0x1900, $0x38;
	[tilespmem:$0x16000] =	vst v63  }
0xbe: {  	s25 =	sadd.s32 $0x2, s25  }
0xbf: {  	[hbm4b:s30+s3] =	stream.linear.scatter [tilespmem:s20], [sflag:$0x3], $0x1900, $0x38;
	[tilespmem:$0x16000] =	vst v63  }
0xc0: {  	s24 =	sadd.s32 $0x1C00, s24;
	s29 =	smov.u32 s28;
	_ =	swait.ge [sflag:s7], $0x6400  }
0xc1: {  	s26 =	sshra.s32 s26, $0x2;
	[sflag:s7] =	ssyncset.done $0x0  }
0xc2: {  	s28 =	sadd.s32 $0x4200, s26;
	[sflag:s7] =	ssyncadd.s32 $0xFFFF9C00  }
0xc3: {  	[tilespmem:s17], [sflag:$0x2] =	stream.indirect.gather [hbm4b:s1+s8], $0x80, s28, s8, $0xb8;
	[tilespmem:$0x16000] =	vst v63  }
0xc4: {  	s31 =	sadd.s32 $0x4280, s26  }
0xc5: {  	[tilespmem:s18], [sflag:$0x2] =	stream.indirect.gather [hbm4b:s1+s8], $0x80, s31, s8, $0xb8;
	[tilespmem:$0x16000] =	vst v63  }
0xc6: {  	s29 =	sadd.s32 $0x4300, s26  }
0xc7: {  	[tilespmem:s19], [sflag:$0x2] =	stream.indirect.gather [hbm4b:s1+s8], $0x80, s29, s8, $0xb8;
	[tilespmem:$0x16000] =	vst v63  }
0xc8: {  	s26 =	sadd.s32 $0x4380, s26  }
0xc9: {  	[tilespmem:s20], [sflag:$0x2] =	stream.indirect.gather [hbm4b:s1+s8], $0x80, s26, s8, $0xb8;
	[tilespmem:$0x16000] =	vst v63  }
0xca: {  	_ =	swait.ge [sflag:s21], $0x1900  }
0xcb: {  	[sflag:s21] =	ssyncset.done $0x0  }
0xcc: {  	[sflag:s21] =	ssyncadd.s32 $0xFFFFE700  }
0xcd: {  	_ =	swait.ge [sflag:s21], $0x1900  }
0xce: {  	[sflag:s21] =	ssyncset.done $0x0  }
0xcf: {  	[sflag:s21] =	ssyncadd.s32 $0xFFFFE700  }
0xd0: {  	_ =	swait.ge [sflag:s21], $0x1900  }
0xd1: {  	[sflag:s21] =	ssyncset.done $0x0  }
0xd2: {  	[sflag:s21] =	ssyncadd.s32 $0xFFFFE700  }
0xd3: {  	_ =	swait.ge [sflag:s21], $0x1900  }
0xd4: {  	[sflag:s21] =	ssyncset.done $0x0  }
0xd5: {  	[sflag:s21] =	ssyncadd.s32 $0xFFFFE700  }
0xd6: {  	[hbm4b:s24+s3] =	stream.linear.scatter [tilespmem:s10], [sflag:$0x3], $0x1900, $0x38;
	[tilespmem:$0x16000] =	vst v63  }
0xd7: {  	s30 =	sadd.s32 $0x380, s24  }
0xd8: {  	[hbm4b:s30+s3] =	stream.linear.scatter [tilespmem:s12], [sflag:$0x3], $0x1900, $0x38;
	[tilespmem:$0x16000] =	vst v63  }
0xd9: {  	p0 =	slt.s32 s25, $0x1D;
	s31 =	sadd.s32 $0x700, s24  }
0xda: {  	[hbm4b:s31+s3] =	stream.linear.scatter [tilespmem:s14], [sflag:$0x3], $0x1900, $0x38;
	[tilespmem:$0x16000] =	vst v63  }
0xdb: {  	s25 =	simm.s32 @!p0 $0x1D;
	s28 =	sadd.s32 $0xA80, s24  }
0xdc: {  	[hbm4b:s28+s3] =	stream.linear.scatter [tilespmem:s16], [sflag:$0x3], $0x1900, $0x38;
	[tilespmem:$0x16000] =	vst v63  }
0xdd: {  	s25 =	sshll.u32 s25, $0x9;
	_ =	swait.ge [sflag:s7], $0x6400  }
0xde: {  	s25 =	sand.u32 $0x3FFFFE00, s25;
	[sflag:s7] =	ssyncset.done $0x0  }
0xdf: {  	s29 =	sadd.s32 $0x4400, s25;
	[sflag:s7] =	ssyncadd.s32 $0xFFFF9C00  }
0xe0: {  	[tilespmem:s10], [sflag:$0x1] =	stream.indirect.gather [hbm4b:s1+s8], $0x80, s29, s8, $0xb8;
	[tilespmem:$0x16000] =	vst v63  }
0xe1: {  	s30 =	sadd.s32 $0x4480, s25  }
0xe2: {  	[tilespmem:s12], [sflag:$0x1] =	stream.indirect.gather [hbm4b:s1+s8], $0x80, s30, s8, $0xb8;
	[tilespmem:$0x16000] =	vst v63  }
0xe3: {  	s31 =	sadd.s32 $0x4500, s25  }
0xe4: {  	[tilespmem:s14], [sflag:$0x1] =	stream.indirect.gather [hbm4b:s1+s8], $0x80, s31, s8, $0xb8;
	[tilespmem:$0x16000] =	vst v63  }
0xe5: {  	s25 =	sadd.s32 $0x4580, s25  }
0xe6: {  	[tilespmem:s16], [sflag:$0x1] =	stream.indirect.gather [hbm4b:s1+s8], $0x80, s25, s8, $0xb8;
	[tilespmem:$0x16000] =	vst v63  }
0xe7: {  	_ =	swait.ge [sflag:s22], $0x1900  }
0xe8: {  	[sflag:s22] =	ssyncset.done $0x0  }
0xe9: {  	[sflag:s22] =	ssyncadd.s32 $0xFFFFE700  }
0xea: {  	_ =	swait.ge [sflag:s22], $0x1900  }
0xeb: {  	[sflag:s22] =	ssyncset.done $0x0  }
0xec: {  	[sflag:s22] =	ssyncadd.s32 $0xFFFFE700  }
0xed: {  	_ =	swait.ge [sflag:s22], $0x1900  }
0xee: {  	[sflag:s22] =	ssyncset.done $0x0  }
0xef: {  	[sflag:s22] =	ssyncadd.s32 $0xFFFFE700  }
0xf0: {  	_ =	swait.ge [sflag:s22], $0x1900  }
0xf1: {  	[sflag:s22] =	ssyncset.done $0x0  }
0xf2: {  	s28 =	sadd.s32 $0xE00, s24;
	[sflag:s22] =	ssyncadd.s32 $0xFFFFE700  }
0xf3: {  	[hbm4b:s28+s3] =	stream.linear.scatter [tilespmem:s17], [sflag:$0x3], $0x1900, $0x38;
	[tilespmem:$0x16000] =	vst v63  }
0xf4: {  	s29 =	sadd.s32 $0x1180, s24  }
0xf5: {  	[hbm4b:s29+s3] =	stream.linear.scatter [tilespmem:s18], [sflag:$0x3], $0x1900, $0x38;
	[tilespmem:$0x16000] =	vst v63  }
0xf6: {  	s30 =	sadd.s32 $0x1500, s24  }
0xf7: {  	[hbm4b:s30+s3] =	stream.linear.scatter [tilespmem:s19], [sflag:$0x3], $0x1900, $0x38;
	[tilespmem:$0x16000] =	vst v63  }
0xf8: {  	s31 =	sadd.s32 $0x1880, s24  }
0xf9: {  	[hbm4b:s31+s3] =	stream.linear.scatter [tilespmem:s20], [sflag:$0x3], $0x1900, $0x38;
	[tilespmem:$0x16000] =	vst v63  }
0xfa: {  	_ =	swait.ge [sflag:s7], $0x6400  }
0xfb: {  	[sflag:s7] =	ssyncset.done $0x0  }
0xfc: {  	[sflag:s7] =	ssyncadd.s32 $0xFFFF9C00  }
0xfd: {  	_ =	swait.ge [sflag:s21], $0x1900  }
0xfe: {  	[sflag:s21] =	ssyncset.done $0x0  }
0xff: {  	[sflag:s21] =	ssyncadd.s32 $0xFFFFE700  }
0x100: {  	_ =	swait.ge [sflag:s21], $0x1900  }
0x101: {  	[sflag:s21] =	ssyncset.done $0x0  }
0x102: {  	s23 =	sadd.s32 $0x1, s23;
	[sflag:s21] =	ssyncadd.s32 $0xFFFFE700  }
0x103: {  	p0 =	sne.s32 s23, s5;
	_ =	swait.ge [sflag:s21], $0x1900  }
.Ltmp2:
0x104: {  	[sflag:s21] =	ssyncset.done $0x0;
	(pc) =	sbr.rel @p0 .LBB2_1-.Ltmp2, $4  }
0x105: {  	[sflag:s21] =	ssyncadd.s32 $0xFFFFE700  }
0x106: {  	_ =	swait.ge [sflag:s21], $0x1900  }
0x107: {  	[sflag:s21] =	ssyncset.done $0x0  }
0x108: {  	[sflag:s21] =	ssyncadd.s32 $0xFFFFE700  }
0x109: {  	_ =	sfence.sel $0x180000  }
0x10a: {  	[bflag:$0x0] =	sbarrier.arrive $0xFFFF  }
0x10b: {  	p0 =	sne.s32 s2, $0x0;
	_ =	strace $0x90000047  }
0x10c: {  	s0 =	sadd.s32 @!p0 $0x100000, s0;
	[bflag:$0x2] =	sbarrier.arrive $0xFFFF  }
0x10d: {  	[sflag:s0] =	ssyncadd.tile.s32 @!p0 $0x1;
	_ =	shalt  }
.Lfunc_end2:
_tile_overlayer_lowered:
.L_overlay_start_2:
0x10e: {  	(tag) =	ssettag $0x2  }
0x10f: {  	s0 =	rddreg [dreg:$0x0];
	s2 =	stileid.u32  }
0x110: {  	s1 =	rddreg [dreg:$0x1];
	p0 =	sne.s32 s2, $0x0  }
0x111: {  	s3 =	rddreg [dreg:$0x2];
	[bflag:$0x3] =	sbarrier.arrive $0xFFFF;
	s2 =	simm.s32 @!p0 $0x1C03  }
0x112: {  	[timem:s3], [sflag:s2] =	dma.local @!p0 [hbm:s0], s1  }
0x113: {  	s0 =	simm.s32 @!p0 $0x3  }
0x114: {  	_ =	swait.ge @!p0 [sflag:s0], s1  }
0x115: {  	s1 =	ssub.s32 @!p0 $0x0, s1;
	[sflag:s0] =	ssyncset.done @!p0 $0x0  }
0x116: {  	[sflag:s0] =	ssyncadd.s32 @!p0 s1  }
0x117: {  	[bflag:$0x3] =	sbarrier.arrive $0xFFFF  }
0x118: {  	_ =	shalt  }

</sc_bundles>
